<compile_context>
chip_gen: v7x
topology: tpu7x:2x2x1
jax: 0.10.2.dev20260603
libtpu: 0.0.44.dev20260713+nightly
codegen_flags: <defaults>
</compile_context>

<pallas_src>
import functools

import numpy as np
import jax
import jax.numpy as jnp
from jax import lax
from jax.experimental import pallas as pl
from jax.experimental.pallas import tpu as pltpu
from jax.experimental.pallas import tpu_sc as plsc

E = 64
L = 16
N_TOK = 131072
NC, NS = 2, 16
W = NC * NS
TW = N_TOK // W
C = 512
NCHUNK = TW // C
G = C // L

_mesh = plsc.VectorSubcoreMesh(
    core_axis_name="c", subcore_axis_name="s", num_cores=NC, num_subcores=NS
)


@functools.partial(
    pl.kernel,
    out_type=(
        jax.ShapeDtypeStruct((W, E, L), jnp.float32),
        jax.ShapeDtypeStruct((W, E, L), jnp.float32),
    ),
    mesh=_mesh,
    compiler_params=pltpu.CompilerParams(
        needs_layout_passes=False, use_tc_tiling_on_sc=True
    ),
    scratch_types=[
        pltpu.VMEM((E, C), jnp.float32),
        pltpu.VMEM((E, C), jnp.float32),
        pltpu.VMEM((E, L), jnp.float32),
        pltpu.VMEM((E, L), jnp.float32),
        pltpu.SemaphoreType.DMA,
        pltpu.SemaphoreType.DMA,
    ],
)
def _sc_balance(gate_t_hbm, w_out, hit_out, buf0, buf1, accw, acchit,
                sem0, sem1):
    wid = lax.axis_index("s") * NC + lax.axis_index("c")
    tok0 = wid * TW
    zero_v = jnp.zeros((L,), jnp.float32)
    neg_inf = jnp.full((L,), -jnp.inf, dtype=jnp.float32)
    bufs = (buf0, buf1)
    sems = (sem0, sem1)

    def chunk_copy(c_idx, b):
        col = tok0 + jnp.minimum(c_idx, NCHUNK - 1) * C
        col = pl.multiple_of(col, 128)
        return pltpu.make_async_copy(
            gate_t_hbm.at[:, pl.ds(col, C)], bufs[b], sems[b]
        )

    @plsc.parallel_loop(0, E, 1, unroll=8)
    def _init(e):
        accw[e, :] = zero_v
        acchit[e, :] = zero_v

    chunk_copy(0, 0).start()
    chunk_copy(1, 1).start()

    def process(buf):
        def group_body(g, _):
            t = pl.multiple_of(g * L, L)

            @plsc.parallel_loop(0, E, 1, unroll=8, carry=(zero_v, neg_inf, neg_inf))
            def p1(e, carry):
                s, m1, m2 = carry
                v = buf[e, pl.ds(t, L)]
                ev = jnp.exp(v)
                m2 = jnp.maximum(m2, jnp.minimum(m1, ev))
                m1 = jnp.maximum(m1, ev)
                return s + ev, m1, m2

            s, _, m2 = p1
            r = 1.0 / s

            @plsc.parallel_loop(0, E, 1, unroll=8)
            def _p2(e):
                ev = jnp.exp(buf[e, pl.ds(t, L)])
                plsc.addupdate(accw.at[e], ev * r)
                plsc.addupdate(acchit.at[e], jnp.where(ev >= m2, 1.0, 0.0))

            return 0

        lax.fori_loop(0, G, group_body, 0)

    def chunk_body(cc, _):
        for b in range(2):
            c = cc * 2 + b
            chunk_copy(c, b).wait()
            process(bufs[b])
            chunk_copy(c + 2, b).start()
        return 0

    lax.fori_loop(0, NCHUNK // 2, chunk_body, 0)
    chunk_copy(NCHUNK, 0).wait()
    chunk_copy(NCHUNK + 1, 1).wait()

    pltpu.sync_copy(accw, w_out.at[wid])
    pltpu.sync_copy(acchit, hit_out.at[wid])


def kernel(gate_logits):
    w_parts, hit_parts = _sc_balance(gate_logits.T)
    total_w = jnp.sum(w_parts)
    hit_any = jnp.max(hit_parts, axis=(0, 2)) > 0.5
    tpe = jnp.mean(hit_any.astype(jnp.float32))
    return tpe * (total_w / np.float32(N_TOK)) * np.float32(E)

# --- scband reference (transcript-rebuilt; emitter-appended) ---
"""Pipeline reference for scband-switch-balancing-loss-56246891708988 (READ-ONLY COPY).

The authoritative reference and input builder live on the scoring server;
editing this copy changes nothing except your own understanding.
"""

import jax, jax.numpy as jnp
import numpy as np

NUM_EXPERTS = 64
TOP_K = 2
N_TOKENS = 131072


def setup_inputs(seed: int = 0) -> dict:
    key = jax.random.key(seed)
    gate_logits = jax.random.normal(key, (N_TOKENS, NUM_EXPERTS), dtype=jnp.float32)
    return {"gate_logits": gate_logits}


def reference(gate_logits):
    # Faithful translation of SwitchBalancingLoss.forward.
    # The torch module receives a tuple of per-layer [tokens, E] logits and
    # concatenates along dim 0; here the concatenation is pre-applied so
    # gate_logits is the concatenated [L*tokens, E] tensor.
    routing_weights = jax.nn.softmax(gate_logits, axis=-1)
    _, selected_experts = jax.lax.top_k(routing_weights, TOP_K)
    selected_experts = selected_experts.reshape(-1)
    # one_hot -> [N*top_k, E] (integer, like torch F.one_hot)
    expert_mask = jax.nn.one_hot(selected_experts, NUM_EXPERTS, dtype=jnp.int32)
    # torch.max(expert_mask, dim=-2).values -> [E]
    expert_mask = jnp.max(expert_mask, axis=-2)
    # torch.mean(expert_mask.float(), dim=0) on a 1-D [E] tensor -> scalar
    tokens_per_expert = jnp.mean(expert_mask.astype(jnp.float32), axis=0)
    # mean over tokens -> [E]
    router_prob_per_expert = jnp.mean(routing_weights, axis=0)
    # scalar * [E, 1] broadcast, then sum -> scalar
    overall_loss = jnp.sum(tokens_per_expert * router_prob_per_expert[..., None])
    return overall_loss * NUM_EXPERTS

if __name__ == "__main__":
    import jax
    _d = setup_inputs()
    print(jax.jit(kernel)(*tuple(_d.values())))

</pallas_src>

<mosaic_0001>
#map = affine_map<(d0, d1) -> (0, 0)>
#map1 = affine_map<(d0, d1) -> (0, 0, 0)>
module attributes {stable_mosaic.version = 14 : i64} {
  func.func @_sc_balance(%arg0: i32, %arg1: i32, %arg2: memref<64x131072xf32, #tpu.memory_space<hbm>>, %arg3: memref<32x64x16xf32, #tpu.memory_space<hbm>>, %arg4: memref<32x64x16xf32, #tpu.memory_space<hbm>>, %arg5: memref<64x512xf32, #tpu.memory_space<vmem>>, %arg6: memref<64x512xf32, #tpu.memory_space<vmem>>, %arg7: memref<64x16xf32, #tpu.memory_space<vmem>>, %arg8: memref<64x16xf32, #tpu.memory_space<vmem>>, %arg9: memref<!tpu.dma_semaphore, #tpu.memory_space<semaphore_mem>>, %arg10: memref<!tpu.dma_semaphore, #tpu.memory_space<semaphore_mem>>) attributes {dimension_semantics = [#tpu.dimension_semantics<core_parallel>, #tpu.dimension_semantics<subcore_parallel>], iteration_bounds = array<i64: 2, 16>, scalar_prefetch = 0 : i64, scratch_operands = 6 : i64, tpu.core_type = #tpu.core_type<sc_vector_subcore>, window_params = [{transform_indices = #map}, {transform_indices = #map1}, {transform_indices = #map1}]} {
    %mul3A = arith.constant 2 : i32
    %mul3A_0 = arith.muli %arg1, %mul3A : i32
    %add3A = arith.addi %mul3A_0, %arg0 : i32
    %mul3A_1 = arith.constant 4096 : i32
    %mul3A_2 = arith.muli %add3A, %mul3A_1 : i32
    %broadcast_in_dim3A = arith.constant 0.000000e+00 : f32
    %broadcast_in_dim3A_3 = vector.broadcast %broadcast_in_dim3A : f32 to vector<16xf32>
    %broadcast_in_dim3A_4 = arith.constant 0xFF800000 : f32
    %broadcast_in_dim3A_5 = vector.broadcast %broadcast_in_dim3A_4 : f32 to vector<16xf32>
    %parallel_loop3A = arith.constant 0 : i32
    %parallel_loop3A_6 = arith.constant 64 : i32
    %parallel_loop3A_7 = arith.constant 1 : i32
    scf.for %parallel_loop3A_54 = %parallel_loop3A to %parallel_loop3A_6 step %parallel_loop3A_7  : i32 {
      %parallel_loop3A_55 = arith.index_cast %parallel_loop3A_54 : i32 to index
      %parallel_loop3A_56 = arith.constant 0 : index
      %parallel_loop3A_57 = tpu.vector_load %arg7[%parallel_loop3A_55, %parallel_loop3A_56] {strides = array<i32>} : memref<64x16xf32, #tpu.memory_space<vmem>>, vector<16xf32>,
      tpu.vector_store %arg7[%parallel_loop3A_55, %parallel_loop3A_56], %broadcast_in_dim3A_3 {strides = array<i32>} : memref<64x16xf32, #tpu.memory_space<vmem>>, vector<16xf32>,
      %parallel_loop3A_58 = arith.index_cast %parallel_loop3A_54 : i32 to index
      %parallel_loop3A_59 = arith.constant 0 : index
      %parallel_loop3A_60 = tpu.vector_load %arg8[%parallel_loop3A_58, %parallel_loop3A_59] {strides = array<i32>} : memref<64x16xf32, #tpu.memory_space<vmem>>, vector<16xf32>,
      tpu.vector_store %arg8[%parallel_loop3A_58, %parallel_loop3A_59], %broadcast_in_dim3A_3 {strides = array<i32>} : memref<64x16xf32, #tpu.memory_space<vmem>>, vector<16xf32>,
    } {sc.loop_unroll_factor = 8 : i64, sc.parallel_access}
    %min3A = arith.constant 0 : i32
    %min3A_8 = arith.constant 7 : i32
    %min3A_9 = arith.minsi %min3A, %min3A_8 : i32
    %mul3A_10 = arith.constant 512 : i32
    %mul3A_11 = arith.muli %min3A_9, %mul3A_10 : i32
    %add3A_12 = arith.addi %mul3A_2, %mul3A_11 : i32
    %multiple_of3A = tpu.assume_multiple %add3A_12, 128 : i32
    %dma_start3A = arith.constant 0 : i32
    %dma_start3A_13 = tpu.memref_slice %arg2[%dma_start3A, %multiple_of3A] : memref<64x131072xf32, #tpu.memory_space<hbm>> -> memref<64x512xf32, #tpu.memory_space<hbm>>
    %dma_start3A_14 = arith.constant 0 : i32
    %dma_start3A_15 = tpu.memref_slice %arg2[%dma_start3A_14, %multiple_of3A] : memref<64x131072xf32, #tpu.memory_space<hbm>> -> memref<64x512xf32, #tpu.memory_space<hbm>>
    tpu.enqueue_dma source(%dma_start3A_15 : memref<64x512xf32, #tpu.memory_space<hbm>>) target(%arg5 : memref<64x512xf32, #tpu.memory_space<vmem>>) target_semaphore(%arg9 : memref<!tpu.dma_semaphore, #tpu.memory_space<semaphore_mem>>)
    %min3A_16 = arith.constant 1 : i32
    %min3A_17 = arith.constant 7 : i32
    %min3A_18 = arith.minsi %min3A_16, %min3A_17 : i32
    %mul3A_19 = arith.constant 512 : i32
    %mul3A_20 = arith.muli %min3A_18, %mul3A_19 : i32
    %add3A_21 = arith.addi %mul3A_2, %mul3A_20 : i32
    %multiple_of3A_22 = tpu.assume_multiple %add3A_21, 128 : i32
    %dma_start3A_23 = arith.constant 0 : i32
    %dma_start3A_24 = tpu.memref_slice %arg2[%dma_start3A_23, %multiple_of3A_22] : memref<64x131072xf32, #tpu.memory_space<hbm>> -> memref<64x512xf32, #tpu.memory_space<hbm>>
    %dma_start3A_25 = arith.constant 0 : i32
    %dma_start3A_26 = tpu.memref_slice %arg2[%dma_start3A_25, %multiple_of3A_22] : memref<64x131072xf32, #tpu.memory_space<hbm>> -> memref<64x512xf32, #tpu.memory_space<hbm>>
    tpu.enqueue_dma source(%dma_start3A_26 : memref<64x512xf32, #tpu.memory_space<hbm>>) target(%arg6 : memref<64x512xf32, #tpu.memory_space<vmem>>) target_semaphore(%arg10 : memref<!tpu.dma_semaphore, #tpu.memory_space<semaphore_mem>>)
    %scan3A = arith.constant 0 : i32
    %scan3A_27 = arith.constant 0 : i32
    %scan3A_28 = arith.constant 4 : i32
    %scan3A_29 = arith.addi %scan3A_27, %scan3A_28 : i32
    %scan3A_30 = arith.constant 1 : i32
    %scan3A_31 = scf.for %scan3A_54 = %scan3A_27 to %scan3A_29 step %scan3A_30 iter_args(%scan3A_55 = %scan3A) -> (i32)  : i32 {
      %mul3A_56 = arith.constant 2 : i32
      %mul3A_57 = arith.muli %scan3A_54, %mul3A_56 : i32
      %add3A_58 = arith.constant 0 : i32
      %add3A_59 = arith.addi %mul3A_57, %add3A_58 : i32
      %min3A_60 = arith.constant 7 : i32
      %min3A_61 = arith.minsi %add3A_59, %min3A_60 : i32
      %mul3A_62 = arith.constant 512 : i32
      %mul3A_63 = arith.muli %min3A_61, %mul3A_62 : i32
      %add3A_64 = arith.addi %mul3A_2, %mul3A_63 : i32
      %multiple_of3A_65 = tpu.assume_multiple %add3A_64, 128 : i32
      %dma_wait3A_66 = arith.constant 0 : i32
      %dma_wait3A_67 = tpu.memref_slice %arg2[%dma_wait3A_66, %multiple_of3A_65] : memref<64x131072xf32, #tpu.memory_space<hbm>> -> memref<64x512xf32, #tpu.memory_space<hbm>>
      %dma_wait3A_68 = arith.constant 0 : i32
      %dma_wait3A_69 = tpu.memref_slice %arg2[%dma_wait3A_68, %multiple_of3A_65] : memref<64x131072xf32, #tpu.memory_space<hbm>> -> memref<64x512xf32, #tpu.memory_space<hbm>>
      tpu.wait_dma2 semaphore(%arg9 : memref<!tpu.dma_semaphore, #tpu.memory_space<semaphore_mem>>) src(%dma_wait3A_69 : memref<64x512xf32, #tpu.memory_space<hbm>>) dst(%arg5 : memref<64x512xf32, #tpu.memory_space<vmem>>)
      %scan3A_70 = arith.constant 0 : i32
      %scan3A_71 = arith.constant 0 : i32
      %scan3A_72 = arith.constant 32 : i32
      %scan3A_73 = arith.addi %scan3A_71, %scan3A_72 : i32
      %scan3A_74 = arith.constant 1 : i32
      %scan3A_75 = scf.for %scan3A_123 = %scan3A_71 to %scan3A_73 step %scan3A_74 iter_args(%scan3A_124 = %scan3A_70) -> (i32)  : i32 {
        %mul3A_125 = arith.constant 16 : i32
        %mul3A_126 = arith.muli %scan3A_123, %mul3A_125 : i32
        %multiple_of3A_127 = tpu.assume_multiple %mul3A_126, 16 : i32
        %parallel_loop3A_128 = arith.constant 0 : i32
        %parallel_loop3A_129 = arith.constant 64 : i32
        %parallel_loop3A_130 = arith.constant 1 : i32
        %parallel_loop3A_131:3 = scf.for %parallel_loop3A_138 = %parallel_loop3A_128 to %parallel_loop3A_129 step %parallel_loop3A_130 iter_args(%parallel_loop3A_139 = %broadcast_in_dim3A_3, %parallel_loop3A_140 = %broadcast_in_dim3A_5, %parallel_loop3A_141 = %broadcast_in_dim3A_5) -> (vector<16xf32>, vector<16xf32>, vector<16xf32>)  : i32 {
          %parallel_loop3A_142 = arith.index_cast %parallel_loop3A_138 : i32 to index
          %parallel_loop3A_143 = arith.index_cast %multiple_of3A_127 : i32 to index
          %parallel_loop3A_144 = tpu.vector_load %arg5[%parallel_loop3A_142, %parallel_loop3A_143] {strides = array<i32>} : memref<64x512xf32, #tpu.memory_space<vmem>>, vector<16xf32>,
          %parallel_loop3A_145 = math.exp %parallel_loop3A_144 : vector<16xf32>
          %parallel_loop3A_146 = arith.minimumf %parallel_loop3A_140, %parallel_loop3A_145 : vector<16xf32>
          %parallel_loop3A_147 = arith.maximumf %parallel_loop3A_141, %parallel_loop3A_146 : vector<16xf32>
          %parallel_loop3A_148 = arith.maximumf %parallel_loop3A_140, %parallel_loop3A_145 : vector<16xf32>
          %parallel_loop3A_149 = arith.addf %parallel_loop3A_139, %parallel_loop3A_145 : vector<16xf32>
          scf.yield %parallel_loop3A_149, %parallel_loop3A_148, %parallel_loop3A_147 : vector<16xf32>, vector<16xf32>, vector<16xf32>
        } {sc.loop_unroll_factor = 8 : i64, sc.parallel_access}
        %div3A = arith.constant 1.000000e+00 : f32
        %div3A_132 = vector.broadcast %div3A : f32 to vector<16xf32>
        %div3A_133 = arith.divf %div3A_132, %parallel_loop3A_131#0 : vector<16xf32>
        %parallel_loop3A_134 = arith.constant 0 : i32
        %parallel_loop3A_135 = arith.constant 64 : i32
        %parallel_loop3A_136 = arith.constant 1 : i32
        scf.for %parallel_loop3A_138 = %parallel_loop3A_134 to %parallel_loop3A_135 step %parallel_loop3A_136  : i32 {
          %parallel_loop3A_139 = arith.index_cast %parallel_loop3A_138 : i32 to index
          %parallel_loop3A_140 = arith.index_cast %multiple_of3A_127 : i32 to index
          %parallel_loop3A_141 = tpu.vector_load %arg5[%parallel_loop3A_139, %parallel_loop3A_140] {strides = array<i32>} : memref<64x512xf32, #tpu.memory_space<vmem>>, vector<16xf32>,
          %parallel_loop3A_142 = math.exp %parallel_loop3A_141 : vector<16xf32>
          %parallel_loop3A_143 = arith.mulf %parallel_loop3A_142, %div3A_133 : vector<16xf32>
          %parallel_loop3A_144 = arith.index_cast %parallel_loop3A_138 : i32 to index
          %parallel_loop3A_145 = arith.constant 0 : index
          %parallel_loop3A_146 = tpu.vector_load %arg7[%parallel_loop3A_144, %parallel_loop3A_145] {strides = array<i32>} : memref<64x16xf32, #tpu.memory_space<vmem>>, vector<16xf32>,
          tpu.vector_store %arg7[%parallel_loop3A_144, %parallel_loop3A_145], %parallel_loop3A_143 {add = true, strides = array<i32>} : memref<64x16xf32, #tpu.memory_space<vmem>>, vector<16xf32>,
          %parallel_loop3A_147 = arith.cmpf oge, %parallel_loop3A_142, %parallel_loop3A_131#2 : vector<16xf32>
          %parallel_loop3A_148 = arith.constant 1.000000e+00 : f32
          %parallel_loop3A_149 = arith.constant 0.000000e+00 : f32
          %parallel_loop3A_150 = vector.broadcast %parallel_loop3A_148 : f32 to vector<16xf32>
          %parallel_loop3A_151 = vector.broadcast %parallel_loop3A_149 : f32 to vector<16xf32>
          %parallel_loop3A_152 = arith.select %parallel_loop3A_147, %parallel_loop3A_150, %parallel_loop3A_151 : vector<16xi1>, vector<16xf32>
          %parallel_loop3A_153 = arith.index_cast %parallel_loop3A_138 : i32 to index
          %parallel_loop3A_154 = arith.constant 0 : index
          %parallel_loop3A_155 = tpu.vector_load %arg8[%parallel_loop3A_153, %parallel_loop3A_154] {strides = array<i32>} : memref<64x16xf32, #tpu.memory_space<vmem>>, vector<16xf32>,
          tpu.vector_store %arg8[%parallel_loop3A_153, %parallel_loop3A_154], %parallel_loop3A_152 {add = true, strides = array<i32>} : memref<64x16xf32, #tpu.memory_space<vmem>>, vector<16xf32>,
        } {sc.loop_unroll_factor = 8 : i64, sc.parallel_access}
        %scan3A_137 = arith.constant 0 : i32
        scf.yield %scan3A_137 : i32
      }
      %scan3A_76 = arith.constant 32 : i32
      %add3A_77 = arith.constant 2 : i32
      %add3A_78 = arith.addi %add3A_59, %add3A_77 : i32
      %min3A_79 = arith.constant 7 : i32
      %min3A_80 = arith.minsi %add3A_78, %min3A_79 : i32
      %mul3A_81 = arith.constant 512 : i32
      %mul3A_82 = arith.muli %min3A_80, %mul3A_81 : i32
      %add3A_83 = arith.addi %mul3A_2, %mul3A_82 : i32
      %multiple_of3A_84 = tpu.assume_multiple %add3A_83, 128 : i32
      %dma_start3A_85 = arith.constant 0 : i32
      %dma_start3A_86 = tpu.memref_slice %arg2[%dma_start3A_85, %multiple_of3A_84] : memref<64x131072xf32, #tpu.memory_space<hbm>> -> memref<64x512xf32, #tpu.memory_space<hbm>>
      %dma_start3A_87 = arith.constant 0 : i32
      %dma_start3A_88 = tpu.memref_slice %arg2[%dma_start3A_87, %multiple_of3A_84] : memref<64x131072xf32, #tpu.memory_space<hbm>> -> memref<64x512xf32, #tpu.memory_space<hbm>>
      tpu.enqueue_dma source(%dma_start3A_88 : memref<64x512xf32, #tpu.memory_space<hbm>>) target(%arg5 : memref<64x512xf32, #tpu.memory_space<vmem>>) target_semaphore(%arg9 : memref<!tpu.dma_semaphore, #tpu.memory_space<semaphore_mem>>)
      %mul3A_89 = arith.constant 2 : i32
      %mul3A_90 = arith.muli %scan3A_54, %mul3A_89 : i32
      %add3A_91 = arith.constant 1 : i32
      %add3A_92 = arith.addi %mul3A_90, %add3A_91 : i32
      %min3A_93 = arith.constant 7 : i32
      %min3A_94 = arith.minsi %add3A_92, %min3A_93 : i32
      %mul3A_95 = arith.constant 512 : i32
      %mul3A_96 = arith.muli %min3A_94, %mul3A_95 : i32
      %add3A_97 = arith.addi %mul3A_2, %mul3A_96 : i32
      %multiple_of3A_98 = tpu.assume_multiple %add3A_97, 128 : i32
      %dma_wait3A_99 = arith.constant 0 : i32
      %dma_wait3A_100 = tpu.memref_slice %arg2[%dma_wait3A_99, %multiple_of3A_98] : memref<64x131072xf32, #tpu.memory_space<hbm>> -> memref<64x512xf32, #tpu.memory_space<hbm>>
      %dma_wait3A_101 = arith.constant 0 : i32
      %dma_wait3A_102 = tpu.memref_slice %arg2[%dma_wait3A_101, %multiple_of3A_98] : memref<64x131072xf32, #tpu.memory_space<hbm>> -> memref<64x512xf32, #tpu.memory_space<hbm>>
      tpu.wait_dma2 semaphore(%arg10 : memref<!tpu.dma_semaphore, #tpu.memory_space<semaphore_mem>>) src(%dma_wait3A_102 : memref<64x512xf32, #tpu.memory_space<hbm>>) dst(%arg6 : memref<64x512xf32, #tpu.memory_space<vmem>>)
      %scan3A_103 = arith.constant 0 : i32
      %scan3A_104 = arith.constant 0 : i32
      %scan3A_105 = arith.constant 32 : i32
      %scan3A_106 = arith.addi %scan3A_104, %scan3A_105 : i32
      %scan3A_107 = arith.constant 1 : i32
      %scan3A_108 = scf.for %scan3A_123 = %scan3A_104 to %scan3A_106 step %scan3A_107 iter_args(%scan3A_124 = %scan3A_103) -> (i32)  : i32 {
        %mul3A_125 = arith.constant 16 : i32
        %mul3A_126 = arith.muli %scan3A_123, %mul3A_125 : i32
        %multiple_of3A_127 = tpu.assume_multiple %mul3A_126, 16 : i32
        %parallel_loop3A_128 = arith.constant 0 : i32
        %parallel_loop3A_129 = arith.constant 64 : i32
        %parallel_loop3A_130 = arith.constant 1 : i32
        %parallel_loop3A_131:3 = scf.for %parallel_loop3A_138 = %parallel_loop3A_128 to %parallel_loop3A_129 step %parallel_loop3A_130 iter_args(%parallel_loop3A_139 = %broadcast_in_dim3A_3, %parallel_loop3A_140 = %broadcast_in_dim3A_5, %parallel_loop3A_141 = %broadcast_in_dim3A_5) -> (vector<16xf32>, vector<16xf32>, vector<16xf32>)  : i32 {
          %parallel_loop3A_142 = arith.index_cast %parallel_loop3A_138 : i32 to index
          %parallel_loop3A_143 = arith.index_cast %multiple_of3A_127 : i32 to index
          %parallel_loop3A_144 = tpu.vector_load %arg6[%parallel_loop3A_142, %parallel_loop3A_143] {strides = array<i32>} : memref<64x512xf32, #tpu.memory_space<vmem>>, vector<16xf32>,
          %parallel_loop3A_145 = math.exp %parallel_loop3A_144 : vector<16xf32>
          %parallel_loop3A_146 = arith.minimumf %parallel_loop3A_140, %parallel_loop3A_145 : vector<16xf32>
          %parallel_loop3A_147 = arith.maximumf %parallel_loop3A_141, %parallel_loop3A_146 : vector<16xf32>
          %parallel_loop3A_148 = arith.maximumf %parallel_loop3A_140, %parallel_loop3A_145 : vector<16xf32>
          %parallel_loop3A_149 = arith.addf %parallel_loop3A_139, %parallel_loop3A_145 : vector<16xf32>
          scf.yield %parallel_loop3A_149, %parallel_loop3A_148, %parallel_loop3A_147 : vector<16xf32>, vector<16xf32>, vector<16xf32>
        } {sc.loop_unroll_factor = 8 : i64, sc.parallel_access}
        %div3A = arith.constant 1.000000e+00 : f32
        %div3A_132 = vector.broadcast %div3A : f32 to vector<16xf32>
        %div3A_133 = arith.divf %div3A_132, %parallel_loop3A_131#0 : vector<16xf32>
        %parallel_loop3A_134 = arith.constant 0 : i32
        %parallel_loop3A_135 = arith.constant 64 : i32
        %parallel_loop3A_136 = arith.constant 1 : i32
        scf.for %parallel_loop3A_138 = %parallel_loop3A_134 to %parallel_loop3A_135 step %parallel_loop3A_136  : i32 {
          %parallel_loop3A_139 = arith.index_cast %parallel_loop3A_138 : i32 to index
          %parallel_loop3A_140 = arith.index_cast %multiple_of3A_127 : i32 to index
          %parallel_loop3A_141 = tpu.vector_load %arg6[%parallel_loop3A_139, %parallel_loop3A_140] {strides = array<i32>} : memref<64x512xf32, #tpu.memory_space<vmem>>, vector<16xf32>,
          %parallel_loop3A_142 = math.exp %parallel_loop3A_141 : vector<16xf32>
          %parallel_loop3A_143 = arith.mulf %parallel_loop3A_142, %div3A_133 : vector<16xf32>
          %parallel_loop3A_144 = arith.index_cast %parallel_loop3A_138 : i32 to index
          %parallel_loop3A_145 = arith.constant 0 : index
          %parallel_loop3A_146 = tpu.vector_load %arg7[%parallel_loop3A_144, %parallel_loop3A_145] {strides = array<i32>} : memref<64x16xf32, #tpu.memory_space<vmem>>, vector<16xf32>,
          tpu.vector_store %arg7[%parallel_loop3A_144, %parallel_loop3A_145], %parallel_loop3A_143 {add = true, strides = array<i32>} : memref<64x16xf32, #tpu.memory_space<vmem>>, vector<16xf32>,
          %parallel_loop3A_147 = arith.cmpf oge, %parallel_loop3A_142, %parallel_loop3A_131#2 : vector<16xf32>
          %parallel_loop3A_148 = arith.constant 1.000000e+00 : f32
          %parallel_loop3A_149 = arith.constant 0.000000e+00 : f32
          %parallel_loop3A_150 = vector.broadcast %parallel_loop3A_148 : f32 to vector<16xf32>
          %parallel_loop3A_151 = vector.broadcast %parallel_loop3A_149 : f32 to vector<16xf32>
          %parallel_loop3A_152 = arith.select %parallel_loop3A_147, %parallel_loop3A_150, %parallel_loop3A_151 : vector<16xi1>, vector<16xf32>
          %parallel_loop3A_153 = arith.index_cast %parallel_loop3A_138 : i32 to index
          %parallel_loop3A_154 = arith.constant 0 : index
          %parallel_loop3A_155 = tpu.vector_load %arg8[%parallel_loop3A_153, %parallel_loop3A_154] {strides = array<i32>} : memref<64x16xf32, #tpu.memory_space<vmem>>, vector<16xf32>,
          tpu.vector_store %arg8[%parallel_loop3A_153, %parallel_loop3A_154], %parallel_loop3A_152 {add = true, strides = array<i32>} : memref<64x16xf32, #tpu.memory_space<vmem>>, vector<16xf32>,
        } {sc.loop_unroll_factor = 8 : i64, sc.parallel_access}
        %scan3A_137 = arith.constant 0 : i32
        scf.yield %scan3A_137 : i32
      }
      %scan3A_109 = arith.constant 32 : i32
      %add3A_110 = arith.constant 2 : i32
      %add3A_111 = arith.addi %add3A_92, %add3A_110 : i32
      %min3A_112 = arith.constant 7 : i32
      %min3A_113 = arith.minsi %add3A_111, %min3A_112 : i32
      %mul3A_114 = arith.constant 512 : i32
      %mul3A_115 = arith.muli %min3A_113, %mul3A_114 : i32
      %add3A_116 = arith.addi %mul3A_2, %mul3A_115 : i32
      %multiple_of3A_117 = tpu.assume_multiple %add3A_116, 128 : i32
      %dma_start3A_118 = arith.constant 0 : i32
      %dma_start3A_119 = tpu.memref_slice %arg2[%dma_start3A_118, %multiple_of3A_117] : memref<64x131072xf32, #tpu.memory_space<hbm>> -> memref<64x512xf32, #tpu.memory_space<hbm>>
      %dma_start3A_120 = arith.constant 0 : i32
      %dma_start3A_121 = tpu.memref_slice %arg2[%dma_start3A_120, %multiple_of3A_117] : memref<64x131072xf32, #tpu.memory_space<hbm>> -> memref<64x512xf32, #tpu.memory_space<hbm>>
      tpu.enqueue_dma source(%dma_start3A_121 : memref<64x512xf32, #tpu.memory_space<hbm>>) target(%arg6 : memref<64x512xf32, #tpu.memory_space<vmem>>) target_semaphore(%arg10 : memref<!tpu.dma_semaphore, #tpu.memory_space<semaphore_mem>>)
      %scan3A_122 = arith.constant 0 : i32
      scf.yield %scan3A_122 : i32
    }
    %scan3A_32 = arith.constant 4 : i32
    %min3A_33 = arith.constant 8 : i32
    %min3A_34 = arith.constant 7 : i32
    %min3A_35 = arith.minsi %min3A_33, %min3A_34 : i32
    %mul3A_36 = arith.constant 512 : i32
    %mul3A_37 = arith.muli %min3A_35, %mul3A_36 : i32
    %add3A_38 = arith.addi %mul3A_2, %mul3A_37 : i32
    %multiple_of3A_39 = tpu.assume_multiple %add3A_38, 128 : i32
    %dma_wait3A = arith.constant 0 : i32
    %dma_wait3A_40 = tpu.memref_slice %arg2[%dma_wait3A, %multiple_of3A_39] : memref<64x131072xf32, #tpu.memory_space<hbm>> -> memref<64x512xf32, #tpu.memory_space<hbm>>
    %dma_wait3A_41 = arith.constant 0 : i32
    %dma_wait3A_42 = tpu.memref_slice %arg2[%dma_wait3A_41, %multiple_of3A_39] : memref<64x131072xf32, #tpu.memory_space<hbm>> -> memref<64x512xf32, #tpu.memory_space<hbm>>
    tpu.wait_dma2 semaphore(%arg9 : memref<!tpu.dma_semaphore, #tpu.memory_space<semaphore_mem>>) src(%dma_wait3A_42 : memref<64x512xf32, #tpu.memory_space<hbm>>) dst(%arg5 : memref<64x512xf32, #tpu.memory_space<vmem>>)
    %min3A_43 = arith.constant 9 : i32
    %min3A_44 = arith.constant 7 : i32
    %min3A_45 = arith.minsi %min3A_43, %min3A_44 : i32
    %mul3A_46 = arith.constant 512 : i32
    %mul3A_47 = arith.muli %min3A_45, %mul3A_46 : i32
    %add3A_48 = arith.addi %mul3A_2, %mul3A_47 : i32
    %multiple_of3A_49 = tpu.assume_multiple %add3A_48, 128 : i32
    %dma_wait3A_50 = arith.constant 0 : i32
    %dma_wait3A_51 = tpu.memref_slice %arg2[%dma_wait3A_50, %multiple_of3A_49] : memref<64x131072xf32, #tpu.memory_space<hbm>> -> memref<64x512xf32, #tpu.memory_space<hbm>>
    %dma_wait3A_52 = arith.constant 0 : i32
    %dma_wait3A_53 = tpu.memref_slice %arg2[%dma_wait3A_52, %multiple_of3A_49] : memref<64x131072xf32, #tpu.memory_space<hbm>> -> memref<64x512xf32, #tpu.memory_space<hbm>>
    tpu.wait_dma2 semaphore(%arg10 : memref<!tpu.dma_semaphore, #tpu.memory_space<semaphore_mem>>) src(%dma_wait3A_53 : memref<64x512xf32, #tpu.memory_space<hbm>>) dst(%arg6 : memref<64x512xf32, #tpu.memory_space<vmem>>)
    "tpu.region"() ({
      %run_scoped3A = tpu.sem_alloc : memref<!tpu.dma_semaphore, #tpu.memory_space<semaphore_mem>>
      %dma_start3A_54 = arith.constant 0 : i32
      %dma_start3A_55 = arith.constant 0 : i32
      %dma_start3A_56 = tpu.memref_slice %arg3[%add3A, %dma_start3A_54, %dma_start3A_55] : memref<32x64x16xf32, #tpu.memory_space<hbm>> -> memref<1x64x16xf32, #tpu.memory_space<hbm>>
      %dma_start3A_57 = tpu.memref_squeeze %dma_start3A_56 : memref<1x64x16xf32, #tpu.memory_space<hbm>> -> memref<64x16xf32, #tpu.memory_space<hbm>>
      %dma_start3A_58 = arith.constant 0 : i32
      %dma_start3A_59 = arith.constant 0 : i32
      %dma_start3A_60 = tpu.memref_slice %arg3[%add3A, %dma_start3A_58, %dma_start3A_59] : memref<32x64x16xf32, #tpu.memory_space<hbm>> -> memref<1x64x16xf32, #tpu.memory_space<hbm>>
      %dma_start3A_61 = tpu.memref_squeeze %dma_start3A_60 : memref<1x64x16xf32, #tpu.memory_space<hbm>> -> memref<64x16xf32, #tpu.memory_space<hbm>>
      tpu.enqueue_dma source(%arg7 : memref<64x16xf32, #tpu.memory_space<vmem>>) target(%dma_start3A_61 : memref<64x16xf32, #tpu.memory_space<hbm>>) target_semaphore(%run_scoped3A : memref<!tpu.dma_semaphore, #tpu.memory_space<semaphore_mem>>)
      %dma_wait3A_62 = arith.constant 0 : i32
      %dma_wait3A_63 = arith.constant 0 : i32
      %dma_wait3A_64 = tpu.memref_slice %arg3[%add3A, %dma_wait3A_62, %dma_wait3A_63] : memref<32x64x16xf32, #tpu.memory_space<hbm>> -> memref<1x64x16xf32, #tpu.memory_space<hbm>>
      %dma_wait3A_65 = tpu.memref_squeeze %dma_wait3A_64 : memref<1x64x16xf32, #tpu.memory_space<hbm>> -> memref<64x16xf32, #tpu.memory_space<hbm>>
      %dma_wait3A_66 = arith.constant 0 : i32
      %dma_wait3A_67 = arith.constant 0 : i32
      %dma_wait3A_68 = tpu.memref_slice %arg3[%add3A, %dma_wait3A_66, %dma_wait3A_67] : memref<32x64x16xf32, #tpu.memory_space<hbm>> -> memref<1x64x16xf32, #tpu.memory_space<hbm>>
      %dma_wait3A_69 = tpu.memref_squeeze %dma_wait3A_68 : memref<1x64x16xf32, #tpu.memory_space<hbm>> -> memref<64x16xf32, #tpu.memory_space<hbm>>
      tpu.wait_dma2 semaphore(%run_scoped3A : memref<!tpu.dma_semaphore, #tpu.memory_space<semaphore_mem>>) src(%arg7 : memref<64x16xf32, #tpu.memory_space<vmem>>) dst(%dma_wait3A_69 : memref<64x16xf32, #tpu.memory_space<hbm>>)
      tpu.yield
    }) : () -> ()
    "tpu.region"() ({
      %run_scoped3A = tpu.sem_alloc : memref<!tpu.dma_semaphore, #tpu.memory_space<semaphore_mem>>
      %dma_start3A_54 = arith.constant 0 : i32
      %dma_start3A_55 = arith.constant 0 : i32
      %dma_start3A_56 = tpu.memref_slice %arg4[%add3A, %dma_start3A_54, %dma_start3A_55] : memref<32x64x16xf32, #tpu.memory_space<hbm>> -> memref<1x64x16xf32, #tpu.memory_space<hbm>>
      %dma_start3A_57 = tpu.memref_squeeze %dma_start3A_56 : memref<1x64x16xf32, #tpu.memory_space<hbm>> -> memref<64x16xf32, #tpu.memory_space<hbm>>
      %dma_start3A_58 = arith.constant 0 : i32
      %dma_start3A_59 = arith.constant 0 : i32
      %dma_start3A_60 = tpu.memref_slice %arg4[%add3A, %dma_start3A_58, %dma_start3A_59] : memref<32x64x16xf32, #tpu.memory_space<hbm>> -> memref<1x64x16xf32, #tpu.memory_space<hbm>>
      %dma_start3A_61 = tpu.memref_squeeze %dma_start3A_60 : memref<1x64x16xf32, #tpu.memory_space<hbm>> -> memref<64x16xf32, #tpu.memory_space<hbm>>
      tpu.enqueue_dma source(%arg8 : memref<64x16xf32, #tpu.memory_space<vmem>>) target(%dma_start3A_61 : memref<64x16xf32, #tpu.memory_space<hbm>>) target_semaphore(%run_scoped3A : memref<!tpu.dma_semaphore, #tpu.memory_space<semaphore_mem>>)
      %dma_wait3A_62 = arith.constant 0 : i32
      %dma_wait3A_63 = arith.constant 0 : i32
      %dma_wait3A_64 = tpu.memref_slice %arg4[%add3A, %dma_wait3A_62, %dma_wait3A_63] : memref<32x64x16xf32, #tpu.memory_space<hbm>> -> memref<1x64x16xf32, #tpu.memory_space<hbm>>
      %dma_wait3A_65 = tpu.memref_squeeze %dma_wait3A_64 : memref<1x64x16xf32, #tpu.memory_space<hbm>> -> memref<64x16xf32, #tpu.memory_space<hbm>>
      %dma_wait3A_66 = arith.constant 0 : i32
      %dma_wait3A_67 = arith.constant 0 : i32
      %dma_wait3A_68 = tpu.memref_slice %arg4[%add3A, %dma_wait3A_66, %dma_wait3A_67] : memref<32x64x16xf32, #tpu.memory_space<hbm>> -> memref<1x64x16xf32, #tpu.memory_space<hbm>>
      %dma_wait3A_69 = tpu.memref_squeeze %dma_wait3A_68 : memref<1x64x16xf32, #tpu.memory_space<hbm>> -> memref<64x16xf32, #tpu.memory_space<hbm>>
      tpu.wait_dma2 semaphore(%run_scoped3A : memref<!tpu.dma_semaphore, #tpu.memory_space<semaphore_mem>>) src(%arg8 : memref<64x16xf32, #tpu.memory_space<vmem>>) dst(%dma_wait3A_69 : memref<64x16xf32, #tpu.memory_space<hbm>>)
      tpu.yield
    }) : () -> ()
    return
  }
}

</mosaic_0001>

<sc_bundles>
// kernel: kernel.3.cloned.1.call-start
scs
__scs_entry_jumppad:
0x0: {  	(pc) =	sbr.rel $0x88, $3  }
0x1: {  	(tag) =	ssettag $0x0;
	lr =	simm.s32 $0x1  }
0x2: {  	[smem:$0x3FA0] =	sst lr;
	_ =	strace $0xD0000000  }
0x3: {  	_ = 	snop  }
0x4: {  	_ = 	snop  }
0x5: {  	_ = 	snop  }
0x6: {  	_ = 	snop  }
0x7: {  	_ = 	snop  }
__scs_overlays_trampoline_lowered:
0x8: {  	[smem:$0x3FAF] =	sst s0  }
0x9: {  	[smem:$0x3FB0] =	sst s1  }
0xa: {  	[smem:$0x3FB1] =	sst s2  }
0xb: {  	[smem:$0x3FB2] =	sst s3  }
0xc: {  	[smem:$0x3FB3] =	sst s4  }
0xd: {  	[smem:$0x3FB4] =	sst s5  }
0xe: {  	[smem:$0x3FB5] =	sst s6  }
0xf: {  	[smem:$0x3FB6] =	sst s7  }
0x10: {  	[smem:$0x3FB7] =	sst s8  }
0x11: {  	[smem:$0x3FB8] =	sst s9;
	s0 =	simm.s32 @!p0 $0x0  }
0x12: {  	s1 =	sld [smem:$0x3F9E];
	s0 =	simm.s32 @p0 $0x1  }
0x13: {  	[smem:$0x3FB9] =	sst s0;
	s0 =	simm.s32 @!p1 $0x0  }
0x14: {  	s2 =	sld [smem:$0x3F9D];
	s0 =	simm.s32 @p1 $0x1  }
0x15: {  	[smem:$0x3FBA] =	sst s0;
	s0 =	simm.s32 @!p2 $0x0  }
0x16: {  	s3 =	sld [smem:$0x3FDB];
	s0 =	simm.s32 @p2 $0x1  }
0x17: {  	s4 =	simm.s32 $0x1BF5;
	[smem:$0x3FBC] =	sst s0  }
0x18: {  	s0 =	sld [smem:$0x3F9F];
	_ =	swait.ge [sflag:s4], $0x0  }
0x19: {  	s7 =	sld [smem:$0x3FA0]  }
0x1a: {  	s8 =	sadd.s32 $0xFFFFE003, lr  }
0x1b: {  	s9 =	sadd.s32 $0xFFFFFEF7, lr;
	s5 =	simm.s32 $0xFFFFFFFF;
	p2 =	slt.u32 s8, $0xFFFFF086  }
0x1c: {  	p1 =	slt.u32 s9, $0xF7A;
	s5 =	simm.s32 @!p2 $0x0  }
0x1d: {  	s5 =	simm.s32 @p1 $0x1;
	p0 =	seq.s32 s7, s2  }
0x1e: {  	s7 =	smul.u32 @!p0 $0xF7A, s2;
	p2 =	seq.s32 @!p0 s5, $0x0  }
0x1f: {  	s9 =	smul.u32 $0xF7A, s1;
	s8 =	simm.s32 @!p0 $0x1BF5;
	p2 =	por !p2, p0  }
0x20: {  	[sflag:s8] =	ssyncset.s32 @!p0 $0xFFFFF086;
	s6 =	sadd.s32 @!p0 s3, s7;
	s7 =	simm.s32 @!p0 $0x108  }
0x21: {  	s3 =	sadd.s32 s3, s9;
	s6 =	sadd.s32 @!p0 $0x88, s6;
	s7 =	simm.s32 @p2 $0x1082  }
0x22: {  	[simem:s7], [sflag:s8] =	dma.local @!p0 [hbm:s6], $0xF7A  }
0x23: {  	s9 =	sor.u32 $0xD0000000, s2;
	s6 =	simm.s32 $0x108;
	_ =	swait.ge @!p0 [sflag:s8], $0x0  }
0x24: {  	s3 =	sadd.s32 $0x88, s3;
	s6 =	simm.s32 @!p1 $0x1082;
	[sflag:s4] =	ssyncset.s32 $0xFFFFF086  }
0x25: {  	[simem:s6], [sflag:s4] =	dma.local [hbm:s3], $0xF7A  }
0x26: {  	[smem:$0x3FA0] =	sst s1;
	(tag) =	ssettag s2;
	_ =	strace s9  }
0x27: {  	s1 =	sld [smem:$0x3FB0]  }
0x28: {  	s2 =	sld [smem:$0x3FB1]  }
0x29: {  	s4 =	sld [smem:$0x3FB3]  }
0x2a: {  	p0 =	seq.s32 s5, $0x0;
	s5 =	sld [smem:$0x3FB4]  }
0x2b: {  	s6 =	sld [smem:$0x3FB5]  }
0x2c: {  	s7 =	sld [smem:$0x3FB6]  }
0x2d: {  	s3 =	simm.s32 $0x108;
	s8 =	sld [smem:$0x3FB7]  }
0x2e: {  	s3 =	simm.s32 @!p0 $0x1082;
	s9 =	sld [smem:$0x3FB8]  }
0x2f: {  	lr =	sadd.s32 s0, s3;
	s0 =	sld [smem:$0x3FAF]  }
0x30: {  	s3 =	sld [smem:$0x3FB2]  }
0x31: {  	[smem:$0x3FBB] =	sst s10  }
0x32: {  	s10 =	sld [smem:$0x3FB9];
	_ =	sdelay $0x3  }
0x33: {  	p0 =	seq.s32 s10, $0x1;
	s10 =	sld [smem:$0x3FBB];
	_ =	sdelay $0x3  }
0x34: {  	[smem:$0x3FBB] =	sst s10  }
0x35: {  	s10 =	sld [smem:$0x3FBA];
	_ =	sdelay $0x3  }
0x36: {  	p1 =	seq.s32 s10, $0x1;
	s10 =	sld [smem:$0x3FBB];
	_ =	sdelay $0x3  }
0x37: {  	[smem:$0x3FBB] =	sst s10  }
0x38: {  	s10 =	sld [smem:$0x3FBC]  }
0x39: {  	_ = 	snop;
	(pc) =	sbr.ind lr, $3  }
0x3a: {  	_ = 	snop  }
0x3b: {  	_ = 	snop  }
0x3c: {  	p2 =	seq.s32 s10, $0x1;
	s10 =	sld [smem:$0x3FBB]  }
0x3d: {  	_ =	shalt  }
0x3e: {  	_ =	shalt  }
0x3f: {  	_ =	shalt  }
0x40: {  	_ =	shalt  }
0x41: {  	_ =	shalt  }
0x42: {  	_ =	shalt  }
0x43: {  	_ =	shalt  }
0x44: {  	_ =	shalt  }
0x45: {  	_ =	shalt  }
0x46: {  	_ =	shalt  }
0x47: {  	_ =	shalt  }
0x48: {  	_ =	shalt  }
0x49: {  	_ =	shalt  }
0x4a: {  	_ =	shalt  }
0x4b: {  	_ =	shalt  }
0x4c: {  	_ =	shalt  }
0x4d: {  	_ =	shalt  }
0x4e: {  	_ =	shalt  }
0x4f: {  	_ =	shalt  }
0x50: {  	_ =	shalt  }
0x51: {  	_ =	shalt  }
0x52: {  	_ =	shalt  }
0x53: {  	_ =	shalt  }
0x54: {  	_ =	shalt  }
0x55: {  	_ =	shalt  }
0x56: {  	_ =	shalt  }
0x57: {  	_ =	shalt  }
0x58: {  	_ =	shalt  }
0x59: {  	_ =	shalt  }
0x5a: {  	_ =	shalt  }
0x5b: {  	_ =	shalt  }
0x5c: {  	_ =	shalt  }
0x5d: {  	_ =	shalt  }
0x5e: {  	_ =	shalt  }
0x5f: {  	_ =	shalt  }
0x60: {  	_ =	shalt  }
0x61: {  	_ =	shalt  }
0x62: {  	_ =	shalt  }
0x63: {  	_ =	shalt  }
0x64: {  	_ =	shalt  }
0x65: {  	_ =	shalt  }
0x66: {  	_ =	shalt  }
0x67: {  	_ =	shalt  }
0x68: {  	_ =	shalt  }
0x69: {  	_ =	shalt  }
0x6a: {  	_ =	shalt  }
0x6b: {  	_ =	shalt  }
0x6c: {  	_ =	shalt  }
0x6d: {  	_ =	shalt  }
0x6e: {  	_ =	shalt  }
0x6f: {  	_ =	shalt  }
0x70: {  	_ =	shalt  }
0x71: {  	_ =	shalt  }
0x72: {  	_ =	shalt  }
0x73: {  	_ =	shalt  }
0x74: {  	_ =	shalt  }
0x75: {  	_ =	shalt  }
0x76: {  	_ =	shalt  }
0x77: {  	_ =	shalt  }
0x78: {  	_ =	shalt  }
0x79: {  	_ =	shalt  }
0x7a: {  	_ =	shalt  }
0x7b: {  	_ =	shalt  }
0x7c: {  	_ =	shalt  }
0x7d: {  	_ =	shalt  }
0x7e: {  	_ =	shalt  }
0x7f: {  	_ =	shalt  }
0x80: {  	_ =	shalt  }
0x81: {  	_ =	shalt  }
0x82: {  	_ =	shalt  }
0x83: {  	_ =	shalt  }
0x84: {  	_ =	shalt  }
0x85: {  	_ =	shalt  }
0x86: {  	_ =	shalt  }
0x87: {  	_ =	shalt  }
.Lfunc_end0:
.L_simem_size_0:
called_computation_lowered:
.L_overlay_start_0:
0x88: {  	s2 =	sld [smem:$0x3FD9]  }
0x89: {  	s3 =	sld [smem:$0x3FFE];
	_ =	sdelay $0x1  }
0x8a: {  	s1 =	srdreg.scid  }
0x8b: {  	s0 =	sand.u32 $0x1, s1  }
0x8c: {  	s17 =	sshll.u32 s0, $0xA;
	s2 =	sadd.s32 s3, s2  }
0x8d: {  	s2 =	sadd.s32 s2, s17  }
0x8e: {  	[smem:$0x3FC7] =	sst s2  }
0x8f: {  	_ = 	snop  }
0x90: {  	s2 =	sld [smem:$0x3FC9];
	(tm) =	ssettm $0x1  }
0x91: {  	s18 =	sld [smem:$0x3FFB];
	_ =	sdelay $0x3  }
0x92: {  	_ =	strace s18  }
0x93: {  	s3 =	sld [smem:$0x3FFC];
	_ =	sdelay $0x3  }
0x94: {  	_ =	strace s3  }
0x95: {  	s3 =	sld [smem:$0x3FFD];
	_ =	sdelay $0x3  }
0x96: {  	_ =	strace s3  }
0x97: {  	_ =	strace $0x8FFFFFFF  }
0x98: {  	s19 =	sld [smem:$0x3FDB];
	_ =	sdelay $0x1  }
0x99: {  	s4 =	simm.s32 $_scs_section_size  }
0x9a: {  	s5 =	simm.s32 $_size__tile_overlayer_lowered;
	s6 =	simm.s32 $_tile_overlayer_lowered  }
0x9b: {  	s22 =	simm.s32 $0x1BFF;
	s21 =	sshll.u32 s6, $0x1;
	s3 =	sadd.s32 s4, s19  }
0x9c: {  	s7 =	simm.s32 $0x0;
	s20 =	sshll.u32 s5, $0x1;
	s5 =	sadd.s32 s21, s3  }
0x9d: {  	[timem:s7], [sflag:s22] =	dma.local [hbm:s5], s20  }
0x9e: {  	_ =	swait.ge [sflag:s22], s20  }
0x9f: {  	s4 =	ssub.s32 $0x0, s20;
	[sflag:s22] =	ssyncset.done $0x0  }
0xa0: {  	[sflag:s22] =	ssyncadd.s32 s4;
	_ =	sdelay $0x1  }
0xa1: {  	s23 =	simm.s32 $0x1B8B  }
0xa2: {  	_ =	swait.ge [sflag:s23], $0x1  }
0xa3: {  	[sflag:s23] =	ssyncset.done $0x0  }
0xa4: {  	s25 =	simm.s32 $0x1B8E;
	s24 =	sld [smem:$0x3FFE];
	[sflag:s23] =	ssyncadd.s32 $0xFFFFFFFF  }
0xa5: {  	s26 =	simm.s32 $execute0_lowered;
	[smem:$0x3FD2] =	sst s25  }
0xa6: {  	s5 =	sshll.u32 s26, $0x1;
	_ =	strace $0x80000046;
	[dreg:$0x1] =	wrdreg $0xFFFFFFFF  }
0xa7: {  	s28 =	simm.s32 $_size_execute0_lowered;
	s3 =	sadd.s32 s3, s5;
	[dreg:$0x0] =	wrdreg $0x0  }
0xa8: {  	s5 =	sshll.u32 s28, $0x1;
	[dreg:$0x2] =	wrdreg s3  }
0xa9: {  	[dreg:$0x3] =	wrdreg s5  }
0xaa: {  	[dreg:$0x4] =	wrdreg $0xC0  }
0xab: {  	_ =	task [dreg:s7], $0x5FFFF  }
0xac: {  	[dreg:$0x1] =	wrdreg $0xFFFFFFFF  }
0xad: {  	[dreg:$0x0] =	wrdreg $0x60  }
0xae: {  	[dreg:$0x2] =	wrdreg s2  }
0xaf: {  	[dreg:$0x3] =	wrdreg s24  }
0xb0: {  	[dreg:$0x4] =	wrdreg $0x9  }
0xb1: {  	_ =	task.clear_ibuf [dreg:s7], $0x5FFFF;
	_ =	strace $0x90000046  }
0xb2: {  	s29 =	simm.s32 $0x9;
	_ =	strace $0x80000048  }
0xb3: {  	_ =	swait.ge [sflag:s29], $0x1  }
0xb4: {  	[sflag:s29] =	ssyncadd.s32 $0xFFFFFFFF  }
0xb5: {  	_ =	strace $0x90000048  }
0xb6: {  	_ =	sfence  }
0xb7: {  	s30 =	sld [smem:$0x0];
	_ =	sdelay $0x2  }
0xb8: {  	s31 =	sshll.u32 s1, $0xD;
	s1 =	sshrl.u32 s1, $0x2  }
0xb9: {  	s3 =	sand.u32 $0x4000, s31;
	s1 =	sadd.s32 s1, s30  }
0xba: {  	s0 =	sor.u32 s3, s0;
	s1 =	sshll.u32 s1, $0x11  }
0xbb: {  	s0 =	sor.u32 s1, s0  }
0xbc: {  	s0 =	sadd.s32 $0x8F2B, s0  }
0xbd: {  	[sflag:s0] =	ssyncadd.remote.s32 $0x1  }
0xbe: {  	_ =	sfence.sel $0xFFFF  }
0xbf: {  	[dreg:$0x0] =	wrdreg $0xFFFFFFFF;
	(pc) =	sbr.abs _section_cstart, $3  }
0xc0: {  	[dreg:$0x1] =	wrdreg $0xFFFFFFFF  }
0xc1: {  	_ =	task.clear_ibuf [dreg:s7], $0x2FFFF;
	_ =	strace $0x9FFFFFFF  }
0xc2: {  	(tm) =	ssettm $0x7FFFFFFF  }
0xc3: {  	_ =	shalt  }
tec
execute0_lowered:
.L_overlay_start_1:
0x0: {  	(tag) =	ssettag $0x1  }
0x1: {  	s3 =	rddreg [dreg:$0x0]  }
0x2: {  	s6 =	rddreg [dreg:$0x1]  }
0x3: {  	s0 =	rddreg [dreg:$0x2]  }
0x4: {  	s4 =	srdreg.scid;
	s1 =	stileid.u32  }
0x5: {  	s2 =	simm.s32 $0x0;
	s10 =	simm.s32 $0x1000;
	s11 =	simm.s32 $0x100000  }
0x6: {  	s12 =	simm.s32 $0x8000;
	s13 =	simm.s32 $0x1;
	s14 =	simm.s32 $0x2  }
0x7: {  	s15 =	simm.s32 $0x10000;
	s16 =	simm.s32 $0x3;
	s17 =	simm.s32 $0x12000  }
0x8: {  	s18 =	simm.s32 $0x0;
	s4 =	sand.u32 $0x1, s4;
	s5 =	sshll.u32 s1, $0x1  }
0x9: {  	[smem:$0x7FF] =	sst s2;
	s7 =	ssub.s32 $0x2, s4;
	s4 =	sor.u32 s4, s5  }
0xa: {  	_ =	strace $0x80000047;
	s30 =	sshrl.u32 s7, $0x1;
	s8 =	sshll.u32 s4, $0xC  }
0xb: {  	s31 =	sshll.u32 s4, $0xA;
	s9 =	ssub.s32 s7, s30;
	s3 =	sadd.s32 s3, s8  }
0xc: {  	s6 =	sadd.s32 s6, s31;
	s4 =	sadd.s32 $0x200, s3;
	s5 =	sadd.s32 $0x400, s3  }
0xd: {  	v0 =	vimm.f32 $0.0e+00;
	s7 =	sadd.s32 $0x600, s3;
	s8 =	sadd.s32 $0x8000, s6;
	s9 =	smax.u32 s9, $0x1  }
.LBB2_1:
0xe: {  	s20 =	simm.s32 $0x10200  }
0xf: {  	[tilespmem:s20+$0xFFFFFE80] =	vst v0  }
0x10: {  	[tilespmem:s20+$0xFFFFFF00] =	vst v0  }
0x11: {  	[tilespmem:s20+$0xFFFFFF80] =	vst v0  }
0x12: {  	[tilespmem:s20+$0x0] =	vst v0  }
0x13: {  	[tilespmem:s20+$0x80] =	vst v0  }
0x14: {  	[tilespmem:s20+$0x100] =	vst v0  }
0x15: {  	[tilespmem:s20+$0x180] =	vst v0  }
0x16: {  	s19 =	simm.s32 $0x12200;
	[tilespmem:s20+$0xFFFFFE00] =	vst v0  }
0x17: {  	[tilespmem:s19+$0xFFFFFE80] =	vst v0  }
0x18: {  	[tilespmem:s19+$0xFFFFFF00] =	vst v0  }
0x19: {  	[tilespmem:s19+$0xFFFFFF80] =	vst v0  }
0x1a: {  	[tilespmem:s19+$0x0] =	vst v0  }
0x1b: {  	[tilespmem:s19+$0x80] =	vst v0  }
0x1c: {  	[tilespmem:s19+$0x100] =	vst v0  }
0x1d: {  	[tilespmem:s19+$0x180] =	vst v0  }
0x1e: {  	s21 =	simm.s32 $0x10600;
	s20 =	simm.s32 $0x0;
	[tilespmem:s19+$0xFFFFFE00] =	vst v0  }
.LBB2_2:
0x1f: {  	[tilespmem:s21+$0xFFFFFE80] =	vst v0;
	s19 =	sadd.s32 $0x400, s19  }
0x20: {  	[tilespmem:s19+$0xFFFFFE80] =	vst v0  }
0x21: {  	[tilespmem:s21+$0xFFFFFF00] =	vst v0  }
0x22: {  	[tilespmem:s19+$0xFFFFFF00] =	vst v0  }
0x23: {  	[tilespmem:s21+$0xFFFFFF80] =	vst v0  }
0x24: {  	[tilespmem:s19+$0xFFFFFF80] =	vst v0  }
0x25: {  	[tilespmem:s21+$0x0] =	vst v0  }
0x26: {  	[tilespmem:s19+$0x0] =	vst v0  }
0x27: {  	[tilespmem:s21+$0x80] =	vst v0  }
0x28: {  	s20 =	sadd.s32 $0x8, s20;
	[tilespmem:s19+$0x80] =	vst v0  }
0x29: {  	p0 =	slt.u32 s20, $0x38;
	[tilespmem:s21+$0x100] =	vst v0  }
.Ltmp0:
0x2a: {  	[tilespmem:s19+$0x100] =	vst v0;
	(pc) =	sbr.rel @p0 .LBB2_2-.Ltmp0, $4  }
0x2b: {  	[tilespmem:s21+$0x180] =	vst v0  }
0x2c: {  	[tilespmem:s19+$0x180] =	vst v0  }
0x2d: {  	[tilespmem:s21+$0xFFFFFE00] =	vst v0  }
0x2e: {  	s21 =	sadd.s32 $0x400, s21;
	[tilespmem:s19+$0xFFFFFE00] =	vst v0  }
0x2f: {  	s19 =	simm.s32 $0x0  }
0x30: {  	[tilespmem:s19], [sflag:$0x1] =	stream.strided.gather [hbm4b:s3+s10], $0x8000, s11, s10, $0x38;
	[tilespmem:$0x14000] =	vst v63  }
0x31: {  	_ = 	snop  }
0x32: {  	[tilespmem:s12], [sflag:$0x2] =	stream.strided.gather [hbm4b:s4+s10], $0x8000, s11, s10, $0x38;
	[tilespmem:$0x14000] =	vst v63  }
.LBB2_4:
0x33: {  	_ =	swait.ge [sflag:s13], $0x8000  }
0x34: {  	s20 =	simm.s32 $0x0;
	[sflag:s13] =	ssyncset.done $0x0  }
0x35: {  	s21 =	simm.s32 $0x0;
	s22 =	simm.s32 $0x0;
	[sflag:s13] =	ssyncadd.s32 $0xFFFF8000  }
.LBB2_5:
0x36: {  	s23 =	sshll.u32 s21, $0x2;
	s24 =	sand.u32 $0x7, s20  }
0x37: {  	s23 =	sand.u32 $0xFFFFF000, s23;
	s24 =	sshll.u32 s24, $0x6  }
0x38: {  	s23 =	sor.u32 s24, s23  }
0x39: {  	s23 =	sshrl.u32 s23, $0x2  }
0x3a: {  	s24 =	sor.u32 $0x200, s23  }
0x3b: {  	v1 =	vld [tilespmem:s24+$0xFFFFFE00];
	_ =	sdelay $0x1  }
0x3c: {  	v2 =	vld [tilespmem:s24+$0xFFFFFF80]  }
0x3d: {  	v3 =	vld [tilespmem:s24+$0xFFFFFE80];
	_ =	sdelay $0x1  }
0x3e: {  	v4 =	vld [tilespmem:s24+$0xFFFFFF00];
	v1 =	vmul.f32 $1.442695020e+00, v1;
	_ =	sdelay $0x1  }
0x3f: {  	v2 =	vmul.f32 $1.442695020e+00, v2;
	(erf) = vpow2.f32 v1  }
0x40: {  	v5 =	vld [tilespmem:s24+$0x100];
	v1 =	vmul.f32 $1.442695020e+00, v3  }
0x41: {  	v3 =	vld [tilespmem:s24+$0x0];
	(erf) = vpow2.f32 v2  }
0x42: {  	v2 =	vmul.f32 $1.442695020e+00, v4;
	(erf) = vpow2.f32 v1;
	v1 =	vld [tilespmem:s24+$0x80]  }
0x43: {  	s23 =	sadd.s32 $0x1000, s24;
	v4 =	vld [tilespmem:s24+$0x180]  }
0x44: {  	v8 =	vld [tilespmem:s23+$0xFFFFFF80];
	(erf) = vpow2.f32 v2  }
0x45: {  	v10 =	vld [tilespmem:s23+$0xFFFFFF00];
	v2 =	vmul.f32 $1.442695020e+00, v5  }
0x46: {  	v12 =	vld [tilespmem:s23+$0xFFFFFE80];
	v3 =	vmul.f32 $1.442695020e+00, v3  }
0x47: {  	v6 =	vimm.f32 $-Inf;
	(erf) = vpow2.f32 v2;
	v2 =	vld [tilespmem:s23+$0xFFFFFE00];
	v1 =	vmul.f32 $1.442695020e+00, v1  }
0x48: {  	v5 =	vimm.f32 $0.0e+00;
	v4 =	vmul.f32 $1.442695020e+00, v4;
	(erf) = vpow2.f32 v3;
	v3 =	vld [tilespmem:s23+$0x0];
	v7 =	vpop (erf)  }
0x49: {  	(erf) = vpow2.f32 v1;
	v9 =	vmin.f32 v6, v7;
	v5 =	vadd.f32 v7, v5  }
0x4a: {  	v11 =	vpop (erf);
	(erf) = vpow2.f32 v4;
	v4 =	vld [tilespmem:s23+$0x80];
	v9 =	vmax.f32 v6, v9;
	v6 =	vmax.f32 v6, v7  }
0x4b: {  	v10 =	vmul.f32 $1.442695020e+00, v10;
	v12 =	vmul.f32 $1.442695020e+00, v12;
	v7 =	vpop (erf)  }
0x4c: {  	v2 =	vmul.f32 $1.442695020e+00, v2;
	v13 =	vmin.f32 v6, v7;
	v5 =	vadd.f32 v7, v5  }
0x4d: {  	v1 =	vmul.f32 $1.442695020e+00, v3;
	v3 =	vmax.f32 v6, v7;
	v7 =	vmul.f32 $1.442695020e+00, v8;
	v8 =	vld [tilespmem:s23+$0x100];
	v6 =	vpop (erf)  }
0x4e: {  	(erf) = vpow2.f32 v2;
	v9 =	vmax.f32 v9, v13;
	v5 =	vadd.f32 v6, v5  }
0x4f: {  	v63 =	vmin.f32 v3, v6;
	v6 =	vmax.f32 v3, v6;
	v3 =	vmul.f32 $1.442695020e+00, v4  }
0x50: {  	v2 =	vpop (erf);
	(erf) = vpow2.f32 v7;
	v14 =	vmin.f32 v6, v11;
	v5 =	vadd.f32 v11, v5  }
0x51: {  	v15 =	vpop (erf);
	v4 =	vmax.f32 v6, v11;
	(erf) = vpow2.f32 v12;
	v6 =	vmax.f32 v9, v63  }
0x52: {  	v7 =	vmul.f32 $1.442695020e+00, v8;
	v6 =	vmax.f32 v6, v14;
	v5 =	vadd.f32 v15, v5  }
0x53: {  	v8 =	vmin.f32 v4, v15;
	(erf) = vpow2.f32 v10;
	v10 =	vmax.f32 v4, v15;
	v9 =	vpop (erf)  }
0x54: {  	(erf) = vpow2.f32 v7;
	v7 =	vmax.f32 v6, v8;
	v6 =	vld [tilespmem:s23+$0x180];
	v11 =	vadd.f32 v9, v5  }
0x55: {  	v8 =	vmax.f32 v10, v9  }
0x56: {  	s25 =	simm.s32 $0x8;
	s26 =	sadd.s32 $0x1000, s23;
	v4 =	vpop (erf);
	v9 =	vmin.f32 v10, v9;
	v5 =	vmin.f32 v8, v2;
	v10 =	vadd.f32 v2, v11  }
.LBB2_6:
0x57: {  	v11 =	vld [tilespmem:s26+$0xFFFFFE00];
	s25 =	sadd.s32 $0x8, s25;
	v12 =	vpop (erf);
	(erf) = vpow2.f32 v1;
	v1 =	vmax.f32 v7, v9;
	v2 =	vmax.f32 v8, v2  }
0x58: {  	v7 =	vld [tilespmem:s26+$0x0];
	p0 =	slt.u32 s25, $0x38;
	v8 =	vmin.f32 v2, v4;
	v2 =	vmax.f32 v2, v4;
	v4 =	vadd.f32 v4, v10  }
0x59: {  	v1 =	vmax.f32 v1, v5;
	v9 =	vld [tilespmem:s26+$0xFFFFFF80];
	v14 =	vmin.f32 v2, v12;
	v6 =	vmul.f32 $1.442695020e+00, v6  }
0x5a: {  	v1 =	vmax.f32 v1, v8;
	v5 =	vld [tilespmem:s26+$0xFFFFFF00];
	v4 =	vadd.f32 v12, v4;
	v13 =	vpop (erf);
	(erf) = vpow2.f32 v3  }
0x5b: {  	v2 =	vmax.f32 v2, v12;
	v8 =	vmax.f32 v1, v14;
	v3 =	vld [tilespmem:s26+$0xFFFFFE80];
	v10 =	vpop (erf);
	(erf) = vpow2.f32 v6  }
0x5c: {  	v6 =	vmul.f32 $1.442695020e+00, v11;
	v11 =	vld [tilespmem:s26+$0x80];
	v12 =	vmin.f32 v2, v10;
	v4 =	vadd.f32 v10, v4  }
0x5d: {  	v1 =	vmul.f32 $1.442695020e+00, v7;
	v7 =	vmax.f32 v8, v12;
	v8 =	vmax.f32 v2, v10;
	v10 =	vpop (erf)  }
0x5e: {  	v9 =	vmul.f32 $1.442695020e+00, v9;
	v12 =	vld [tilespmem:s26+$0x100];
	(erf) = vpow2.f32 v6;
	v4 =	vadd.f32 v10, v4;
	v2 =	vpop (erf)  }
0x5f: {  	v6 =	vmin.f32 v8, v10;
	v8 =	vmax.f32 v8, v10;
	v5 =	vmul.f32 $1.442695020e+00, v5  }
0x60: {  	v14 =	vmin.f32 v8, v13;
	v10 =	vmul.f32 $1.442695020e+00, v3;
	v4 =	vadd.f32 v13, v4;
	v15 =	vpop (erf)  }
0x61: {  	v8 =	vmax.f32 v8, v13;
	v3 =	vmul.f32 $1.442695020e+00, v11;
	(erf) = vpow2.f32 v9  }
.Ltmp1:
0x62: {  	v6 =	vmax.f32 v7, v6;
	(erf) = vpow2.f32 v10;
	v13 =	vadd.f32 v15, v4;
	(pc) =	sbr.rel @p0 .LBB2_6-.Ltmp1, $4  }
0x63: {  	v9 =	vmax.f32 v6, v14;
	v10 =	vmin.f32 v8, v15;
	v7 =	vmul.f32 $1.442695020e+00, v12;
	v11 =	vpop (erf)  }
0x64: {  	v6 =	vld [tilespmem:s26+$0x180];
	(erf) = vpow2.f32 v5;
	v5 =	vmax.f32 v8, v15;
	v12 =	vadd.f32 v11, v13;
	v4 =	vpop (erf)  }
0x65: {  	(erf) = vpow2.f32 v7;
	v7 =	vmax.f32 v9, v10;
	v8 =	vmax.f32 v5, v11  }
0x66: {  	s26 =	sadd.s32 $0x1000, s26;
	v9 =	vmin.f32 v5, v11;
	v5 =	vmin.f32 v8, v2;
	v10 =	vadd.f32 v2, v12  }
0x67: {  	_ = 	snop  }
0x68: {  	(erf) = vpow2.f32 v1;
	v1 =	vadd.f32 v4, v10  }
0x69: {  	v10 =	vpop (erf)  }
0x6a: {  	(erf) = vpow2.f32 v3;
	v1 =	vadd.f32 v10, v1;
	v11 =	vpop (erf)  }
0x6b: {  	v3 =	vpop (erf)  }
0x6c: {  	v6 =	vmul.f32 $1.442695020e+00, v6;
	v1 =	vadd.f32 v3, v1  }
0x6d: {  	v12 =	vpop (erf)  }
0x6e: {  	(erf) = vpow2.f32 v6;
	v1 =	vadd.f32 v12, v1;
	_ =	sdelay $0x1  }
0x6f: {  	v2 =	vmax.f32 v8, v2;
	v7 =	vmax.f32 v7, v9;
	v6 =	vpop (erf);
	v1 =	vadd.f32 v11, v1  }
0x70: {  	v9 =	vmax.f32 v2, v4;
	v2 =	vmin.f32 v2, v4;
	v5 =	vmax.f32 v7, v5;
	v13 =	vpop (erf)  }
0x71: {  	v14 =	vld [tilespmem:s24+$0x180];
	v4 =	vmin.f32 v9, v10;
	v2 =	vmax.f32 v5, v2;
	v1 =	vadd.f32 v13, v1  }
0x72: {  	v5 =	vmax.f32 v9, v10;
	v9 =	vld [tilespmem:s24+$0xFFFFFF00];
	v2 =	vmax.f32 v2, v4;
	v8 =	vpop (erf)  }
0x73: {  	v16 =	vld [tilespmem:s24+$0x80];
	v4 =	vmin.f32 v5, v3;
	v3 =	vmax.f32 v5, v3;
	v1 =	vadd.f32 v8, v1  }
0x74: {  	v7 =	vld [tilespmem:s24+$0xFFFFFE80];
	v2 =	vmax.f32 v2, v4;
	v4 =	vmax.f32 v3, v12;
	v3 =	vmin.f32 v3, v12  }
0x75: {  	v2 =	vmax.f32 v2, v3;
	v3 =	vld [tilespmem:s24+$0xFFFFFE00];
	v1 =	vadd.f32 v6, v1  }
0x76: {  	v10 =	vld [tilespmem:s24+$0xFFFFFF80];
	v5 =	vpop (erf)  }
0x77: {  	v15 =	vld [tilespmem:s24+$0x0];
	v14 =	vmul.f32 $1.442695020e+00, v14;
	v9 =	vmul.f32 $1.442695020e+00, v9;
	v1 =	vadd.f32 v5, v1  }
0x78: {  	v63 =	vmin.f32 v4, v11;
	v4 =	vmax.f32 v4, v11;
	v11 =	vmul.f32 $1.442695020e+00, v16  }
0x79: {  	(erf) = vrcp.f32 v1;
	v1 =	vmul.f32 $1.442695020e+00, v7;
	v7 =	vld [tilespmem:s24+$0x100]  }
0x7a: {  	v3 =	vmul.f32 $1.442695020e+00, v3;
	(erf) = vpow2.f32 v14  }
0x7b: {  	(erf) = vpow2.f32 v1;
	v1 =	vmul.f32 $1.442695020e+00, v10  }
0x7c: {  	v2 =	vmax.f32 v2, v63;
	v10 =	vmul.f32 $1.442695020e+00, v15;
	(erf) = vpow2.f32 v9  }
0x7d: {  	v9 =	vmin.f32 v4, v13;
	v4 =	vmax.f32 v4, v13;
	(erf) = vpow2.f32 v1  }
0x7e: {  	v1 =	vmax.f32 v2, v9;
	v2 =	vmul.f32 $1.442695020e+00, v7;
	(erf) = vpow2.f32 v10  }
0x7f: {  	v7 =	vmax.f32 v4, v8;
	v4 =	vmin.f32 v4, v8;
	(erf) = vpow2.f32 v11  }
0x80: {  	(erf) = vpow2.f32 v2;
	v2 =	vmax.f32 v1, v4;
	v4 =	vmax.f32 v7, v6  }
0x81: {  	v8 =	vmin.f32 v7, v6;
	(erf) = vpow2.f32 v3  }
0x82: {  	v3 =	vmin.f32 v4, v5;
	v2 =	vmax.f32 v2, v8;
	v1 =	vpop (erf)  }
0x83: {  	v2 =	vmax.f32 v2, v3;
	v4 =	vpop (erf)  }
0x84: {  	v3 =	vmul.f32 v4, v1;
	vm0 =	vge.f32 v4, v2;
	v4 =	vpop (erf)  }
0x85: {  	s24 =	simm.s32 $0x0;
	v5 =	vmul.f32 v4, v1;
	vm1 =	vge.f32 v4, v2;
	v4 =	vsel vm0, $0x3F800000, v0;
	v6 =	vpop (erf)  }
0x86: {  	v7 =	vsel vm1, $0x3F800000, v0;
	v8 =	vmul.f32 v6, v1;
	vm0 =	vge.f32 v6, v2;
	[tilespmem:s24+$0x12380] =	vst.add.f32.msk $0xffff, v4;
	v6 =	vpop (erf)  }
0x87: {  	[tilespmem:s24+$0x10080] =	vst.add.f32.msk $0xffff, v5;
	v9 =	vsel vm0, $0x3F800000, v0;
	v4 =	vmul.f32 v6, v1;
	vm0 =	vge.f32 v6, v2;
	v10 =	vpop (erf)  }
0x88: {  	[tilespmem:s24+$0x12080] =	vst.add.f32.msk $0xffff, v7;
	v6 =	vsel vm0, $0x3F800000, v0;
	v5 =	vmul.f32 v10, v1;
	vm0 =	vge.f32 v10, v2;
	v10 =	vpop (erf)  }
0x89: {  	[tilespmem:s24+$0x10100] =	vst.add.f32.msk $0xffff, v8;
	v8 =	vsel vm0, $0x3F800000, v0;
	v7 =	vmul.f32 v10, v1;
	vm0 =	vge.f32 v10, v2;
	v11 =	vpop (erf)  }
0x8a: {  	s25 =	simm.s32 $0x0;
	s26 =	simm.s32 $0x0;
	[tilespmem:s24+$0x12100] =	vst.add.f32.msk $0xffff, v9;
	v10 =	vsel vm0, $0x3F800000, v0;
	v9 =	vmul.f32 v11, v1;
	vm0 =	vge.f32 v11, v2;
	v11 =	vpop (erf)  }
.LBB2_8:
0x8b: {  	v12 =	vld [tilespmem:s23+$0x180];
	s26 =	sadd.s32 $0x8, s26;
	v13 =	vmul.f32 v11, v1;
	vm1 =	vge.f32 v11, v2;
	v11 =	vsel vm0, $0x3F800000, v0;
	v14 =	vmovc v3  }
0x8c: {  	v3 =	vld [tilespmem:s23+$0xFFFFFE80];
	p0 =	slt.u32 s26, $0x38;
	v15 =	vsel vm1, $0x3F800000, v0  }
0x8d: {  	v16 =	vld [tilespmem:s23+$0xFFFFFF00]  }
0x8e: {  	v17 =	vld [tilespmem:s23+$0xFFFFFF80]  }
0x8f: {  	v18 =	vld [tilespmem:s23+$0x0]  }
0x90: {  	v19 =	vld [tilespmem:s23+$0x80];
	v12 =	vmul.f32 $1.442695020e+00, v12  }
0x91: {  	v3 =	vmul.f32 $1.442695020e+00, v3;
	v20 =	vld [tilespmem:s23+$0x100]  }
0x92: {  	v21 =	vld [tilespmem:s23+$0xFFFFFE00];
	v16 =	vmul.f32 $1.442695020e+00, v16;
	(erf) = vpow2.f32 v12  }
0x93: {  	v12 =	vmul.f32 $1.442695020e+00, v17;
	(erf) = vpow2.f32 v3;
	[tilespmem:s24+$0x10000] =	vst.add.f32.msk $0xffff, v13  }
0x94: {  	v3 =	vmul.f32 $1.442695020e+00, v18;
	(erf) = vpow2.f32 v16;
	[tilespmem:s24+$0x12000] =	vst.add.f32.msk $0xffff, v15  }
0x95: {  	v13 =	vmul.f32 $1.442695020e+00, v19;
	(erf) = vpow2.f32 v12;
	[tilespmem:s24+$0x10180] =	vst.add.f32.msk $0xffff, v4  }
0x96: {  	v4 =	vmul.f32 $1.442695020e+00, v20;
	(erf) = vpow2.f32 v3;
	[tilespmem:s24+$0x12180] =	vst.add.f32.msk $0xffff, v6  }
0x97: {  	v3 =	vmul.f32 $1.442695020e+00, v21;
	(erf) = vpow2.f32 v13;
	[tilespmem:s24+$0x10200] =	vst.add.f32.msk $0xffff, v5  }
0x98: {  	(erf) = vpow2.f32 v4;
	[tilespmem:s24+$0x12200] =	vst.add.f32.msk $0xffff, v8  }
0x99: {  	(erf) = vpow2.f32 v3;
	[tilespmem:s24+$0x10280] =	vst.add.f32.msk $0xffff, v7  }
0x9a: {  	[tilespmem:s24+$0x12280] =	vst.add.f32.msk $0xffff, v10  }
0x9b: {  	v4 =	vpop (erf);
	[tilespmem:s24+$0x10300] =	vst.add.f32.msk $0xffff, v9  }
0x9c: {  	s25 =	sadd.s32 $0x1000, s25;
	v3 =	vmul.f32 v4, v1;
	vm0 =	vge.f32 v4, v2;
	v4 =	vpop (erf);
	[tilespmem:s24+$0x12300] =	vst.add.f32.msk $0xffff, v11  }
0x9d: {  	v5 =	vmul.f32 v4, v1;
	vm1 =	vge.f32 v4, v2;
	v4 =	vsel vm0, $0x3F800000, v0;
	v6 =	vpop (erf);
	[tilespmem:s24+$0x10380] =	vst.add.f32.msk $0xffff, v14;
	s24 =	sshra.s32 s25, $0x2  }
.Ltmp2:
0x9e: {  	v7 =	vsel vm1, $0x3F800000, v0;
	v8 =	vmul.f32 v6, v1;
	vm0 =	vge.f32 v6, v2;
	[tilespmem:s24+$0x12380] =	vst.add.f32.msk $0xffff, v4;
	v6 =	vpop (erf);
	(pc) =	sbr.rel @p0 .LBB2_8-.Ltmp2, $4  }
0x9f: {  	[tilespmem:s24+$0x10080] =	vst.add.f32.msk $0xffff, v5;
	v9 =	vsel vm0, $0x3F800000, v0;
	v4 =	vmul.f32 v6, v1;
	vm0 =	vge.f32 v6, v2;
	v10 =	vpop (erf)  }
0xa0: {  	[tilespmem:s24+$0x12080] =	vst.add.f32.msk $0xffff, v7;
	v6 =	vsel vm0, $0x3F800000, v0;
	v5 =	vmul.f32 v10, v1;
	vm0 =	vge.f32 v10, v2;
	v10 =	vpop (erf)  }
0xa1: {  	[tilespmem:s24+$0x10100] =	vst.add.f32.msk $0xffff, v8;
	v8 =	vsel vm0, $0x3F800000, v0;
	v7 =	vmul.f32 v10, v1;
	vm0 =	vge.f32 v10, v2;
	v11 =	vpop (erf)  }
0xa2: {  	s23 =	sadd.s32 $0x1000, s23;
	[tilespmem:s24+$0x12100] =	vst.add.f32.msk $0xffff, v9;
	v10 =	vsel vm0, $0x3F800000, v0;
	v9 =	vmul.f32 v11, v1;
	vm0 =	vge.f32 v11, v2;
	v11 =	vpop (erf)  }
0xa3: {  	[tilespmem:s24+$0x10180] =	vst.add.f32.msk $0xffff, v4  }
0xa4: {  	[tilespmem:s24+$0x12180] =	vst.add.f32.msk $0xffff, v6  }
0xa5: {  	[tilespmem:s24+$0x10200] =	vst.add.f32.msk $0xffff, v5  }
0xa6: {  	[tilespmem:s24+$0x12200] =	vst.add.f32.msk $0xffff, v8  }
0xa7: {  	[tilespmem:s24+$0x10280] =	vst.add.f32.msk $0xffff, v7;
	s22 =	sadd.s32 $0x1, s22  }
0xa8: {  	[tilespmem:s24+$0x12280] =	vst.add.f32.msk $0xffff, v10;
	p0 =	sne.s32 s22, $0x20  }
.Ltmp3:
0xa9: {  	v1 =	vmul.f32 v11, v1;
	[tilespmem:s24+$0x10380] =	vst.add.f32.msk $0xffff, v3;
	(pc) =	sbr.rel @p0 .LBB2_5-.Ltmp3, $4  }
0xaa: {  	vm1 =	vge.f32 v11, v2;
	[tilespmem:s24+$0x10300] =	vst.add.f32.msk $0xffff, v9  }
0xab: {  	v2 =	vsel vm1, $0x3F800000, v0;
	[tilespmem:s24+$0x10000] =	vst.add.f32.msk $0xffff, v1  }
0xac: {  	[tilespmem:s24+$0x12000] =	vst.add.f32.msk $0xffff, v2;
	v1 =	vsel vm0, $0x3F800000, v0  }
0xad: {  	s21 =	sadd.s32 $0x80, s21;
	s20 =	sadd.s32 $0x1, s20;
	[tilespmem:s24+$0x12300] =	vst.add.f32.msk $0xffff, v1  }
0xae: {  	s20 =	sshll.u32 s19, $0x1  }
0xaf: {  	s21 =	smin.u32 s20, $0x5  }
0xb0: {  	s21 =	sshll.u32 s21, $0x9  }
0xb1: {  	s22 =	sadd.s32 s21, s5;
	s21 =	simm.s32 $0x0  }
0xb2: {  	[tilespmem:s21], [sflag:$0x1] =	stream.strided.gather [hbm4b:s22+s10], $0x8000, s11, s10, $0x38;
	[tilespmem:$0x14000] =	vst v63  }
0xb3: {  	_ =	swait.ge [sflag:s14], $0x8000  }
0xb4: {  	[sflag:s14] =	ssyncset.done $0x0  }
0xb5: {  	s23 =	simm.s32 $0x0;
	s22 =	simm.s32 $0x0;
	[sflag:s14] =	ssyncadd.s32 $0xFFFF8000  }
.LBB2_11:
0xb6: {  	s24 =	sshll.u32 s22, $0x2;
	s25 =	sand.u32 $0x7, s21  }
0xb7: {  	s24 =	sand.u32 $0xFFFFF000, s24;
	s25 =	sshll.u32 s25, $0x6  }
0xb8: {  	s24 =	sor.u32 s25, s24  }
0xb9: {  	s24 =	sshrl.u32 s24, $0x2  }
0xba: {  	s25 =	sadd.s32 $0x8200, s24  }
0xbb: {  	v1 =	vld [tilespmem:s25+$0xFFFFFE00];
	_ =	sdelay $0x1  }
0xbc: {  	v2 =	vld [tilespmem:s25+$0xFFFFFF80]  }
0xbd: {  	v3 =	vld [tilespmem:s25+$0xFFFFFE80];
	_ =	sdelay $0x1  }
0xbe: {  	v4 =	vld [tilespmem:s25+$0xFFFFFF00];
	v1 =	vmul.f32 $1.442695020e+00, v1;
	_ =	sdelay $0x1  }
0xbf: {  	v2 =	vmul.f32 $1.442695020e+00, v2;
	(erf) = vpow2.f32 v1  }
0xc0: {  	v5 =	vld [tilespmem:s25+$0x100];
	v1 =	vmul.f32 $1.442695020e+00, v3  }
0xc1: {  	v3 =	vld [tilespmem:s25+$0x0];
	(erf) = vpow2.f32 v2  }
0xc2: {  	v2 =	vmul.f32 $1.442695020e+00, v4;
	(erf) = vpow2.f32 v1;
	v1 =	vld [tilespmem:s25+$0x80]  }
0xc3: {  	s24 =	sadd.s32 $0x1000, s25;
	v4 =	vld [tilespmem:s25+$0x180]  }
0xc4: {  	v8 =	vld [tilespmem:s24+$0xFFFFFF80];
	(erf) = vpow2.f32 v2  }
0xc5: {  	v10 =	vld [tilespmem:s24+$0xFFFFFF00];
	v2 =	vmul.f32 $1.442695020e+00, v5  }
0xc6: {  	v12 =	vld [tilespmem:s24+$0xFFFFFE80];
	v3 =	vmul.f32 $1.442695020e+00, v3  }
0xc7: {  	v6 =	vimm.f32 $-Inf;
	(erf) = vpow2.f32 v2;
	v2 =	vld [tilespmem:s24+$0xFFFFFE00];
	v1 =	vmul.f32 $1.442695020e+00, v1  }
0xc8: {  	v5 =	vimm.f32 $0.0e+00;
	v4 =	vmul.f32 $1.442695020e+00, v4;
	(erf) = vpow2.f32 v3;
	v3 =	vld [tilespmem:s24+$0x0];
	v7 =	vpop (erf)  }
0xc9: {  	(erf) = vpow2.f32 v1;
	v9 =	vmin.f32 v6, v7;
	v5 =	vadd.f32 v7, v5  }
0xca: {  	v11 =	vpop (erf);
	(erf) = vpow2.f32 v4;
	v4 =	vld [tilespmem:s24+$0x80];
	v9 =	vmax.f32 v6, v9;
	v6 =	vmax.f32 v6, v7  }
0xcb: {  	v10 =	vmul.f32 $1.442695020e+00, v10;
	v12 =	vmul.f32 $1.442695020e+00, v12;
	v7 =	vpop (erf)  }
0xcc: {  	v2 =	vmul.f32 $1.442695020e+00, v2;
	v13 =	vmin.f32 v6, v7;
	v5 =	vadd.f32 v7, v5  }
0xcd: {  	v1 =	vmul.f32 $1.442695020e+00, v3;
	v3 =	vmax.f32 v6, v7;
	v7 =	vmul.f32 $1.442695020e+00, v8;
	v8 =	vld [tilespmem:s24+$0x100];
	v6 =	vpop (erf)  }
0xce: {  	(erf) = vpow2.f32 v2;
	v9 =	vmax.f32 v9, v13;
	v5 =	vadd.f32 v6, v5  }
0xcf: {  	v63 =	vmin.f32 v3, v6;
	v6 =	vmax.f32 v3, v6;
	v3 =	vmul.f32 $1.442695020e+00, v4  }
0xd0: {  	v2 =	vpop (erf);
	(erf) = vpow2.f32 v7;
	v14 =	vmin.f32 v6, v11;
	v5 =	vadd.f32 v11, v5  }
0xd1: {  	v15 =	vpop (erf);
	v4 =	vmax.f32 v6, v11;
	(erf) = vpow2.f32 v12;
	v6 =	vmax.f32 v9, v63  }
0xd2: {  	v7 =	vmul.f32 $1.442695020e+00, v8;
	v6 =	vmax.f32 v6, v14;
	v5 =	vadd.f32 v15, v5  }
0xd3: {  	v8 =	vmin.f32 v4, v15;
	(erf) = vpow2.f32 v10;
	v10 =	vmax.f32 v4, v15;
	v9 =	vpop (erf)  }
0xd4: {  	(erf) = vpow2.f32 v7;
	v7 =	vmax.f32 v6, v8;
	v6 =	vld [tilespmem:s24+$0x180];
	v11 =	vadd.f32 v9, v5  }
0xd5: {  	v8 =	vmax.f32 v10, v9  }
0xd6: {  	s26 =	simm.s32 $0x8;
	s28 =	sadd.s32 $0x1000, s24;
	v4 =	vpop (erf);
	v9 =	vmin.f32 v10, v9;
	v5 =	vmin.f32 v8, v2;
	v10 =	vadd.f32 v2, v11  }
.LBB2_12:
0xd7: {  	v11 =	vld [tilespmem:s28+$0xFFFFFE00];
	s26 =	sadd.s32 $0x8, s26;
	v12 =	vpop (erf);
	(erf) = vpow2.f32 v1;
	v1 =	vmax.f32 v7, v9;
	v2 =	vmax.f32 v8, v2  }
0xd8: {  	v7 =	vld [tilespmem:s28+$0x0];
	p0 =	slt.u32 s26, $0x38;
	v8 =	vmin.f32 v2, v4;
	v2 =	vmax.f32 v2, v4;
	v4 =	vadd.f32 v4, v10  }
0xd9: {  	v1 =	vmax.f32 v1, v5;
	v9 =	vld [tilespmem:s28+$0xFFFFFF80];
	v14 =	vmin.f32 v2, v12;
	v6 =	vmul.f32 $1.442695020e+00, v6  }
0xda: {  	v1 =	vmax.f32 v1, v8;
	v5 =	vld [tilespmem:s28+$0xFFFFFF00];
	v4 =	vadd.f32 v12, v4;
	v13 =	vpop (erf);
	(erf) = vpow2.f32 v3  }
0xdb: {  	v2 =	vmax.f32 v2, v12;
	v8 =	vmax.f32 v1, v14;
	v3 =	vld [tilespmem:s28+$0xFFFFFE80];
	v10 =	vpop (erf);
	(erf) = vpow2.f32 v6  }
0xdc: {  	v6 =	vmul.f32 $1.442695020e+00, v11;
	v11 =	vld [tilespmem:s28+$0x80];
	v12 =	vmin.f32 v2, v10;
	v4 =	vadd.f32 v10, v4  }
0xdd: {  	v1 =	vmul.f32 $1.442695020e+00, v7;
	v7 =	vmax.f32 v8, v12;
	v8 =	vmax.f32 v2, v10;
	v10 =	vpop (erf)  }
0xde: {  	v9 =	vmul.f32 $1.442695020e+00, v9;
	v12 =	vld [tilespmem:s28+$0x100];
	(erf) = vpow2.f32 v6;
	v4 =	vadd.f32 v10, v4;
	v2 =	vpop (erf)  }
0xdf: {  	v6 =	vmin.f32 v8, v10;
	v8 =	vmax.f32 v8, v10;
	v5 =	vmul.f32 $1.442695020e+00, v5  }
0xe0: {  	v14 =	vmin.f32 v8, v13;
	v10 =	vmul.f32 $1.442695020e+00, v3;
	v4 =	vadd.f32 v13, v4;
	v15 =	vpop (erf)  }
0xe1: {  	v8 =	vmax.f32 v8, v13;
	v3 =	vmul.f32 $1.442695020e+00, v11;
	(erf) = vpow2.f32 v9  }
.Ltmp4:
0xe2: {  	v6 =	vmax.f32 v7, v6;
	(erf) = vpow2.f32 v10;
	v13 =	vadd.f32 v15, v4;
	(pc) =	sbr.rel @p0 .LBB2_12-.Ltmp4, $4  }
0xe3: {  	v9 =	vmax.f32 v6, v14;
	v10 =	vmin.f32 v8, v15;
	v7 =	vmul.f32 $1.442695020e+00, v12;
	v11 =	vpop (erf)  }
0xe4: {  	v6 =	vld [tilespmem:s28+$0x180];
	(erf) = vpow2.f32 v5;
	v5 =	vmax.f32 v8, v15;
	v12 =	vadd.f32 v11, v13;
	v4 =	vpop (erf)  }
0xe5: {  	(erf) = vpow2.f32 v7;
	v7 =	vmax.f32 v9, v10;
	v8 =	vmax.f32 v5, v11  }
0xe6: {  	s28 =	sadd.s32 $0x1000, s28;
	v9 =	vmin.f32 v5, v11;
	v5 =	vmin.f32 v8, v2;
	v10 =	vadd.f32 v2, v12  }
0xe7: {  	_ = 	snop  }
0xe8: {  	(erf) = vpow2.f32 v1;
	v1 =	vadd.f32 v4, v10  }
0xe9: {  	v10 =	vpop (erf)  }
0xea: {  	(erf) = vpow2.f32 v3;
	v1 =	vadd.f32 v10, v1;
	v11 =	vpop (erf)  }
0xeb: {  	v3 =	vpop (erf)  }
0xec: {  	v6 =	vmul.f32 $1.442695020e+00, v6;
	v1 =	vadd.f32 v3, v1  }
0xed: {  	v12 =	vpop (erf)  }
0xee: {  	(erf) = vpow2.f32 v6;
	v1 =	vadd.f32 v12, v1;
	_ =	sdelay $0x1  }
0xef: {  	v2 =	vmax.f32 v8, v2;
	v7 =	vmax.f32 v7, v9;
	v6 =	vpop (erf);
	v1 =	vadd.f32 v11, v1  }
0xf0: {  	v9 =	vmax.f32 v2, v4;
	v2 =	vmin.f32 v2, v4;
	v5 =	vmax.f32 v7, v5;
	v13 =	vpop (erf)  }
0xf1: {  	v14 =	vld [tilespmem:s25+$0x180];
	v4 =	vmin.f32 v9, v10;
	v2 =	vmax.f32 v5, v2;
	v1 =	vadd.f32 v13, v1  }
0xf2: {  	v5 =	vmax.f32 v9, v10;
	v9 =	vld [tilespmem:s25+$0xFFFFFF00];
	v2 =	vmax.f32 v2, v4;
	v8 =	vpop (erf)  }
0xf3: {  	v16 =	vld [tilespmem:s25+$0x80];
	v4 =	vmin.f32 v5, v3;
	v3 =	vmax.f32 v5, v3;
	v1 =	vadd.f32 v8, v1  }
0xf4: {  	v7 =	vld [tilespmem:s25+$0xFFFFFE80];
	v2 =	vmax.f32 v2, v4;
	v4 =	vmax.f32 v3, v12;
	v3 =	vmin.f32 v3, v12  }
0xf5: {  	v2 =	vmax.f32 v2, v3;
	v3 =	vld [tilespmem:s25+$0xFFFFFE00];
	v1 =	vadd.f32 v6, v1  }
0xf6: {  	v10 =	vld [tilespmem:s25+$0xFFFFFF80];
	v5 =	vpop (erf)  }
0xf7: {  	v15 =	vld [tilespmem:s25+$0x0];
	v14 =	vmul.f32 $1.442695020e+00, v14;
	v9 =	vmul.f32 $1.442695020e+00, v9;
	v1 =	vadd.f32 v5, v1  }
0xf8: {  	v63 =	vmin.f32 v4, v11;
	v4 =	vmax.f32 v4, v11;
	v11 =	vmul.f32 $1.442695020e+00, v16  }
0xf9: {  	(erf) = vrcp.f32 v1;
	v1 =	vmul.f32 $1.442695020e+00, v7;
	v7 =	vld [tilespmem:s25+$0x100]  }
0xfa: {  	v3 =	vmul.f32 $1.442695020e+00, v3;
	(erf) = vpow2.f32 v14  }
0xfb: {  	(erf) = vpow2.f32 v1;
	v1 =	vmul.f32 $1.442695020e+00, v10  }
0xfc: {  	v2 =	vmax.f32 v2, v63;
	v10 =	vmul.f32 $1.442695020e+00, v15;
	(erf) = vpow2.f32 v9  }
0xfd: {  	v9 =	vmin.f32 v4, v13;
	v4 =	vmax.f32 v4, v13;
	(erf) = vpow2.f32 v1  }
0xfe: {  	v1 =	vmax.f32 v2, v9;
	v2 =	vmul.f32 $1.442695020e+00, v7;
	(erf) = vpow2.f32 v10  }
0xff: {  	v7 =	vmax.f32 v4, v8;
	v4 =	vmin.f32 v4, v8;
	(erf) = vpow2.f32 v11  }
0x100: {  	(erf) = vpow2.f32 v2;
	v2 =	vmax.f32 v1, v4;
	v4 =	vmax.f32 v7, v6  }
0x101: {  	v8 =	vmin.f32 v7, v6;
	(erf) = vpow2.f32 v3  }
0x102: {  	v3 =	vmin.f32 v4, v5;
	v2 =	vmax.f32 v2, v8;
	v1 =	vpop (erf)  }
0x103: {  	v2 =	vmax.f32 v2, v3;
	v4 =	vpop (erf)  }
0x104: {  	v3 =	vmul.f32 v4, v1;
	vm0 =	vge.f32 v4, v2;
	v4 =	vpop (erf)  }
0x105: {  	s25 =	simm.s32 $0x0;
	v5 =	vmul.f32 v4, v1;
	vm1 =	vge.f32 v4, v2;
	v4 =	vsel vm0, $0x3F800000, v0;
	v6 =	vpop (erf)  }
0x106: {  	v7 =	vsel vm1, $0x3F800000, v0;
	v8 =	vmul.f32 v6, v1;
	vm0 =	vge.f32 v6, v2;
	[tilespmem:s25+$0x12380] =	vst.add.f32.msk $0xffff, v4;
	v6 =	vpop (erf)  }
0x107: {  	[tilespmem:s25+$0x10080] =	vst.add.f32.msk $0xffff, v5;
	v9 =	vsel vm0, $0x3F800000, v0;
	v4 =	vmul.f32 v6, v1;
	vm0 =	vge.f32 v6, v2;
	v10 =	vpop (erf)  }
0x108: {  	[tilespmem:s25+$0x12080] =	vst.add.f32.msk $0xffff, v7;
	v6 =	vsel vm0, $0x3F800000, v0;
	v5 =	vmul.f32 v10, v1;
	vm0 =	vge.f32 v10, v2;
	v10 =	vpop (erf)  }
0x109: {  	[tilespmem:s25+$0x10100] =	vst.add.f32.msk $0xffff, v8;
	v8 =	vsel vm0, $0x3F800000, v0;
	v7 =	vmul.f32 v10, v1;
	vm0 =	vge.f32 v10, v2;
	v11 =	vpop (erf)  }
0x10a: {  	s26 =	simm.s32 $0x0;
	s28 =	simm.s32 $0x0;
	[tilespmem:s25+$0x12100] =	vst.add.f32.msk $0xffff, v9;
	v10 =	vsel vm0, $0x3F800000, v0;
	v9 =	vmul.f32 v11, v1;
	vm0 =	vge.f32 v11, v2;
	v11 =	vpop (erf)  }
.LBB2_14:
0x10b: {  	v12 =	vld [tilespmem:s24+$0x180];
	s28 =	sadd.s32 $0x8, s28;
	v13 =	vmul.f32 v11, v1;
	vm1 =	vge.f32 v11, v2;
	v11 =	vsel vm0, $0x3F800000, v0;
	v14 =	vmovc v3  }
0x10c: {  	v3 =	vld [tilespmem:s24+$0xFFFFFE80];
	p0 =	slt.u32 s28, $0x38;
	v15 =	vsel vm1, $0x3F800000, v0  }
0x10d: {  	v16 =	vld [tilespmem:s24+$0xFFFFFF00]  }
0x10e: {  	v17 =	vld [tilespmem:s24+$0xFFFFFF80]  }
0x10f: {  	v18 =	vld [tilespmem:s24+$0x0]  }
0x110: {  	v19 =	vld [tilespmem:s24+$0x80];
	v12 =	vmul.f32 $1.442695020e+00, v12  }
0x111: {  	v3 =	vmul.f32 $1.442695020e+00, v3;
	v20 =	vld [tilespmem:s24+$0x100]  }
0x112: {  	v21 =	vld [tilespmem:s24+$0xFFFFFE00];
	v16 =	vmul.f32 $1.442695020e+00, v16;
	(erf) = vpow2.f32 v12  }
0x113: {  	v12 =	vmul.f32 $1.442695020e+00, v17;
	(erf) = vpow2.f32 v3;
	[tilespmem:s25+$0x10000] =	vst.add.f32.msk $0xffff, v13  }
0x114: {  	v3 =	vmul.f32 $1.442695020e+00, v18;
	(erf) = vpow2.f32 v16;
	[tilespmem:s25+$0x12000] =	vst.add.f32.msk $0xffff, v15  }
0x115: {  	v13 =	vmul.f32 $1.442695020e+00, v19;
	(erf) = vpow2.f32 v12;
	[tilespmem:s25+$0x10180] =	vst.add.f32.msk $0xffff, v4  }
0x116: {  	v4 =	vmul.f32 $1.442695020e+00, v20;
	(erf) = vpow2.f32 v3;
	[tilespmem:s25+$0x12180] =	vst.add.f32.msk $0xffff, v6  }
0x117: {  	v3 =	vmul.f32 $1.442695020e+00, v21;
	(erf) = vpow2.f32 v13;
	[tilespmem:s25+$0x10200] =	vst.add.f32.msk $0xffff, v5  }
0x118: {  	(erf) = vpow2.f32 v4;
	[tilespmem:s25+$0x12200] =	vst.add.f32.msk $0xffff, v8  }
0x119: {  	(erf) = vpow2.f32 v3;
	[tilespmem:s25+$0x10280] =	vst.add.f32.msk $0xffff, v7  }
0x11a: {  	[tilespmem:s25+$0x12280] =	vst.add.f32.msk $0xffff, v10  }
0x11b: {  	v4 =	vpop (erf);
	[tilespmem:s25+$0x10300] =	vst.add.f32.msk $0xffff, v9  }
0x11c: {  	s26 =	sadd.s32 $0x1000, s26;
	v3 =	vmul.f32 v4, v1;
	vm0 =	vge.f32 v4, v2;
	v4 =	vpop (erf);
	[tilespmem:s25+$0x12300] =	vst.add.f32.msk $0xffff, v11  }
0x11d: {  	v5 =	vmul.f32 v4, v1;
	vm1 =	vge.f32 v4, v2;
	v4 =	vsel vm0, $0x3F800000, v0;
	v6 =	vpop (erf);
	[tilespmem:s25+$0x10380] =	vst.add.f32.msk $0xffff, v14;
	s25 =	sshra.s32 s26, $0x2  }
.Ltmp5:
0x11e: {  	v7 =	vsel vm1, $0x3F800000, v0;
	v8 =	vmul.f32 v6, v1;
	vm0 =	vge.f32 v6, v2;
	[tilespmem:s25+$0x12380] =	vst.add.f32.msk $0xffff, v4;
	v6 =	vpop (erf);
	(pc) =	sbr.rel @p0 .LBB2_14-.Ltmp5, $4  }
0x11f: {  	[tilespmem:s25+$0x10080] =	vst.add.f32.msk $0xffff, v5;
	v9 =	vsel vm0, $0x3F800000, v0;
	v4 =	vmul.f32 v6, v1;
	vm0 =	vge.f32 v6, v2;
	v10 =	vpop (erf)  }
0x120: {  	[tilespmem:s25+$0x12080] =	vst.add.f32.msk $0xffff, v7;
	v6 =	vsel vm0, $0x3F800000, v0;
	v5 =	vmul.f32 v10, v1;
	vm0 =	vge.f32 v10, v2;
	v10 =	vpop (erf)  }
0x121: {  	[tilespmem:s25+$0x10100] =	vst.add.f32.msk $0xffff, v8;
	v8 =	vsel vm0, $0x3F800000, v0;
	v7 =	vmul.f32 v10, v1;
	vm0 =	vge.f32 v10, v2;
	v11 =	vpop (erf)  }
0x122: {  	s24 =	sadd.s32 $0x1000, s24;
	[tilespmem:s25+$0x12100] =	vst.add.f32.msk $0xffff, v9;
	v10 =	vsel vm0, $0x3F800000, v0;
	v9 =	vmul.f32 v11, v1;
	vm0 =	vge.f32 v11, v2;
	v11 =	vpop (erf)  }
0x123: {  	[tilespmem:s25+$0x10180] =	vst.add.f32.msk $0xffff, v4  }
0x124: {  	[tilespmem:s25+$0x12180] =	vst.add.f32.msk $0xffff, v6  }
0x125: {  	[tilespmem:s25+$0x10200] =	vst.add.f32.msk $0xffff, v5  }
0x126: {  	[tilespmem:s25+$0x12200] =	vst.add.f32.msk $0xffff, v8  }
0x127: {  	[tilespmem:s25+$0x10280] =	vst.add.f32.msk $0xffff, v7;
	s23 =	sadd.s32 $0x1, s23  }
0x128: {  	[tilespmem:s25+$0x12280] =	vst.add.f32.msk $0xffff, v10;
	p0 =	sne.s32 s23, $0x20  }
.Ltmp6:
0x129: {  	v1 =	vmul.f32 v11, v1;
	[tilespmem:s25+$0x10380] =	vst.add.f32.msk $0xffff, v3;
	(pc) =	sbr.rel @p0 .LBB2_11-.Ltmp6, $4  }
0x12a: {  	vm1 =	vge.f32 v11, v2;
	[tilespmem:s25+$0x10300] =	vst.add.f32.msk $0xffff, v9  }
0x12b: {  	v2 =	vsel vm1, $0x3F800000, v0;
	[tilespmem:s25+$0x10000] =	vst.add.f32.msk $0xffff, v1  }
0x12c: {  	[tilespmem:s25+$0x12000] =	vst.add.f32.msk $0xffff, v2;
	v1 =	vsel vm0, $0x3F800000, v0  }
0x12d: {  	s22 =	sadd.s32 $0x80, s22;
	s21 =	sadd.s32 $0x1, s21;
	[tilespmem:s25+$0x12300] =	vst.add.f32.msk $0xffff, v1  }
0x12e: {  	s19 =	sadd.s32 $0x1, s19  }
0x12f: {  	p0 =	sne.s32 s19, $0x4  }
.Ltmp7:
0x130: {  	_ = 	snop;
	(pc) =	sbr.rel @p0 .LBB2_4-.Ltmp7, $4  }
0x131: {  	s20 =	smin.u32 s20, $0x4  }
0x132: {  	s20 =	sshll.u32 s20, $0x9  }
0x133: {  	s20 =	sadd.s32 s20, s7  }
0x134: {  	[tilespmem:s12], [sflag:$0x2] =	stream.strided.gather [hbm4b:s20+s10], $0x8000, s11, s10, $0x38;
	[tilespmem:$0x14000] =	vst v63  }
0x135: {  	_ =	swait.ge [sflag:s13], $0x8000  }
0x136: {  	[sflag:s13] =	ssyncset.done $0x0  }
0x137: {  	[sflag:s13] =	ssyncadd.s32 $0xFFFF8000  }
0x138: {  	_ =	swait.ge [sflag:s14], $0x8000  }
0x139: {  	[sflag:s14] =	ssyncset.done $0x0  }
0x13a: {  	[sflag:s14] =	ssyncadd.s32 $0xFFFF8000  }
0x13b: {  	[hbm4b:s8+s2] =	stream.linear.scatter [tilespmem:s15], [sflag:$0x3], $0x2000, $0x38;
	[tilespmem:$0x14000] =	vst v63  }
0x13c: {  	s18 =	sadd.s32 $0x1, s18;
	_ =	swait.ge [sflag:s16], $0x2000  }
0x13d: {  	p0 =	sne.s32 s18, s9;
	[sflag:s16] =	ssyncset.done $0x0  }
.Ltmp8:
0x13e: {  	[sflag:s16] =	ssyncadd.s32 $0xFFFFE000;
	(pc) =	sbr.rel @p0 .LBB2_1-.Ltmp8, $4  }
0x13f: {  	[hbm4b:s6+s2] =	stream.linear.scatter [tilespmem:s17], [sflag:$0x3], $0x2000, $0x38;
	[tilespmem:$0x14000] =	vst v63  }
0x140: {  	_ =	swait.ge [sflag:s16], $0x2000  }
0x141: {  	[sflag:s16] =	ssyncset.done $0x0  }
0x142: {  	[sflag:s16] =	ssyncadd.s32 $0xFFFFE000  }
0x143: {  	_ =	sfence.sel $0x180000  }
0x144: {  	[bflag:$0x0] =	sbarrier.arrive $0xFFFF  }
0x145: {  	p0 =	sne.s32 s1, $0x0;
	_ =	strace $0x90000047  }
0x146: {  	s0 =	sadd.s32 @!p0 $0x100000, s0;
	[bflag:$0x2] =	sbarrier.arrive $0xFFFF  }
0x147: {  	[sflag:s0] =	ssyncadd.tile.s32 @!p0 $0x1;
	_ =	shalt  }
.Lfunc_end2:
_tile_overlayer_lowered:
.L_overlay_start_2:
0x148: {  	(tag) =	ssettag $0x2  }
0x149: {  	s0 =	rddreg [dreg:$0x0];
	s2 =	stileid.u32  }
0x14a: {  	s1 =	rddreg [dreg:$0x1];
	p0 =	sne.s32 s2, $0x0  }
0x14b: {  	s3 =	rddreg [dreg:$0x2];
	[bflag:$0x3] =	sbarrier.arrive $0xFFFF;
	s2 =	simm.s32 @!p0 $0x1C03  }
0x14c: {  	[timem:s3], [sflag:s2] =	dma.local @!p0 [hbm:s0], s1  }
0x14d: {  	s0 =	simm.s32 @!p0 $0x3  }
0x14e: {  	_ =	swait.ge @!p0 [sflag:s0], s1  }
0x14f: {  	s1 =	ssub.s32 @!p0 $0x0, s1;
	[sflag:s0] =	ssyncset.done @!p0 $0x0  }
0x150: {  	[sflag:s0] =	ssyncadd.s32 @!p0 s1  }
0x151: {  	[bflag:$0x3] =	sbarrier.arrive $0xFFFF  }
0x152: {  	_ =	shalt  }

</sc_bundles>
